<compile_context>
chip_gen: v7x
topology: tpu7x:2x2x1
jax: 0.10.2.dev20260603
libtpu: 0.0.44.dev20260713+nightly
codegen_flags: <defaults>
</compile_context>

<pallas_src>
import functools

import jax
import jax.numpy as jnp
from jax import lax
from jax.experimental import pallas as pl
from jax.experimental.pallas import tpu as pltpu
from jax.experimental.pallas import tpu_sc as plsc

_N = 5000
_NP = 5120
_NCHUNK = _NP // 128
_NCLS = 81
_SCORE_THRESH = 0.2
_NMS_THRESH = 0.5
_MAXH = 15
_MAXO = 15


def _rank_kernel(kcol_ref, krow_ref, boxesT_ref, labelsf_ref, scrow_ref,
                 sidx_ref, rows_ref):
    kcol = kcol_ref[...]
    kcol = jnp.where(kcol >= _SCORE_THRESH, kcol, -1.0)
    idx_col = lax.broadcasted_iota(jnp.int32, (_NP, 1), 0)

    def rank_body(jr, rank):
        krow = krow_ref[pl.ds(jr, 1), :]
        krow = jnp.where(krow >= _SCORE_THRESH, krow, -1.0)
        idx_row = jr * 128 + lax.broadcasted_iota(jnp.int32, (1, 128), 1)
        before = (krow > kcol) | ((krow == kcol) & (idx_row < idx_col))
        return rank + jnp.sum(before.astype(jnp.int32), axis=1, keepdims=True)

    rank = lax.fori_loop(0, _NCHUNK, rank_body,
                         jnp.zeros((_NP, 1), jnp.int32))

    def inv_body(pr, carry):
        p_row = pr * 128 + lax.broadcasted_iota(jnp.int32, (1, 128), 1)
        hit = rank == p_row
        sidx_ref[pl.ds(pr, 1), :] = jnp.sum(
            jnp.where(hit, idx_col, 0), axis=0, keepdims=True)
        return carry

    lax.fori_loop(0, _NCHUNK, inv_body, 0)
    bt = boxesT_ref[...]
    b4 = bt[0:4, :]
    mx = jnp.max(bt)
    l4 = labelsf_ref[0:4, :]
    bnms4 = b4 + l4 * (mx + 1.0)
    rows_ref[...] = jnp.concatenate(
        [bnms4, b4, scrow_ref[...], labelsf_ref[0:1, :],
         jnp.zeros((6, _NP), jnp.float32)], axis=0)


def _sc_scan(sidx_hbm, rows_hbm, out_hbm,
             sidx_v, fld_v, srt_v, kx1, ky1, kx2, ky2, kar, cnt_v, out_v):
    cid = lax.axis_index("c")
    sid = lax.axis_index("s")
    lane16 = jnp.arange(16, dtype=jnp.int32)

    @pl.when((cid == 0) & (sid == 0))
    def _work():
        pltpu.sync_copy(sidx_hbm, sidx_v)
        for sr, r in enumerate((0, 1, 2, 3, 8, 9)):
            pltpu.sync_copy(rows_hbm.at[r], fld_v.at[sr])

        zf = jnp.zeros((16,), jnp.float32)
        zi = jnp.zeros((16,), jnp.int32)

        def presort(t, carry):
            idxv = sidx_v[pl.ds(t * 16, 16)]
            for sr in range(6):
                rowv = jnp.full((16,), sr, jnp.int32)
                srt_v[sr, pl.ds(t * 16, 16)] = plsc.load_gather(
                    fld_v, [rowv, idxv])
            return carry

        lax.fori_loop(0, _NP // 16, presort, 0)

        for sr in range(4):
            pltpu.sync_copy(rows_hbm.at[4 + sr], fld_v.at[sr])

        def zero_kept(t, carry):
            kx1[pl.ds(t * 16, 16)] = zf
            ky1[pl.ds(t * 16, 16)] = zf
            kx2[pl.ds(t * 16, 16)] = zf
            ky2[pl.ds(t * 16, 16)] = zf
            kar[pl.ds(t * 16, 16)] = zf
            return carry

        lax.fori_loop(0, _NCLS, zero_kept, 0)

        def zero_cnt(t, carry):
            cnt_v[pl.ds(t * 16, 16)] = zi
            return carry

        lax.fori_loop(0, _NCLS + 2, zero_cnt, 0)

        def zero_out(t, carry):
            out_v[pl.ds(t * 16, 16)] = zf
            return carry

        lax.fori_loop(0, 32, zero_out, 0)

        emit_rows = jnp.where(lane16 < 4, lane16, 0)

        def group_body(g, carry):
            done = cnt_v[pl.ds(82 * 16, 16)][0]

            @pl.when(done == 0)
            def _block():
                b = g * 16
                wx1 = srt_v[0, pl.ds(b, 16)]
                wy1 = srt_v[1, pl.ds(b, 16)]
                wx2 = srt_v[2, pl.ds(b, 16)]
                wy2 = srt_v[3, pl.ds(b, 16)]
                wsc = srt_v[4, pl.ds(b, 16)]
                wlb = srt_v[5, pl.ds(b, 16)]
                wsi = sidx_v[pl.ds(b, 16)]
                vtrue = lane16 >= 0
                dnums = lax.GatherDimensionNumbers(
                    offset_dims=(), collapsed_slice_dims=(0,),
                    start_index_map=(0,))

                def lane_of(v, tv):
                    return lax.gather(
                        v, tv[:, None], dnums, (1,),
                        mode=lax.GatherScatterMode.PROMISE_IN_BOUNDS)[0]

                def step(t, d):
                    tv = zi + t
                    s = lane_of(wsc, tv)
                    c = lane_of(wlb, tv).astype(jnp.int32)
                    valid = s >= _SCORE_THRESH
                    cidx = c * 16 + lane16
                    cc = plsc.load_gather(cnt_v, [cidx])[0]
                    oc = cnt_v[pl.ds(81 * 16, 16)][0]
                    is_h = c == 0
                    cap = (cc < _MAXH) & (is_h | (oc < _MAXO))
                    proceed = (d == 0) & valid & cap
                    cx1 = lane_of(wx1, tv)
                    cy1 = lane_of(wy1, tv)
                    cx2 = lane_of(wx2, tv)
                    cy2 = lane_of(wy2, tv)
                    car = (cx2 - cx1) * (cy2 - cy1)
                    vx1 = plsc.load_gather(kx1, [cidx])
                    vy1 = plsc.load_gather(ky1, [cidx])
                    vx2 = plsc.load_gather(kx2, [cidx])
                    vy2 = plsc.load_gather(ky2, [cidx])
                    var = plsc.load_gather(kar, [cidx])
                    ltx = jnp.maximum(vx1, cx1)
                    lty = jnp.maximum(vy1, cy1)
                    rbx = jnp.minimum(vx2, cx2)
                    rby = jnp.minimum(vy2, cy2)
                    w = jnp.maximum(rbx - ltx, 0.0)
                    h = jnp.maximum(rby - lty, 0.0)
                    inter = w * h
                    union = (var + car) - inter
                    iou = inter / jnp.maximum(union, 1e-9)
                    supp = (iou > _NMS_THRESH) & (lane16 < cc)
                    suppressed = plsc.all_reduce_population_count(supp)[0] > 0
                    keep = proceed & jnp.logical_not(suppressed)
                    kv = vtrue & keep
                    lcc = (lane16 == cc) & kv
                    plsc.store_scatter(kx1, [cidx], zf + cx1, mask=lcc)
                    plsc.store_scatter(ky1, [cidx], zf + cy1, mask=lcc)
                    plsc.store_scatter(kx2, [cidx], zf + cx2, mask=lcc)
                    plsc.store_scatter(ky2, [cidx], zf + cy2, mask=lcc)
                    plsc.store_scatter(kar, [cidx], zf + car, mask=lcc)
                    l0k = (lane16 == 0) & kv
                    plsc.store_scatter(cnt_v, [cidx], zi + cc + 1, mask=l0k)
                    row = jnp.where(is_h, cc, 15 + oc)
                    si = lane_of_i(wsi, tv)
                    bo4 = plsc.load_gather(fld_v, [emit_rows, zi + si])
                    vals = jnp.where(
                        lane16 == 0, bo4[0],
                        jnp.where(lane16 == 1, bo4[1],
                                  jnp.where(lane16 == 2, bo4[2],
                                            jnp.where(lane16 == 3, bo4[3],
                                                      jnp.where(lane16 == 4,
                                                                s, 0.0)))))
                    plsc.store_scatter(out_v, [row * 16 + lane16], vals,
                                       mask=kv)
                    plsc.store_scatter(cnt_v, [81 * 16 + lane16], zi + oc + 1,
                                       mask=l0k & jnp.logical_not(is_h))
                    hc2 = cnt_v[pl.ds(0, 16)][0]
                    oc2 = cnt_v[pl.ds(81 * 16, 16)][0]
                    stop = jnp.logical_not(valid)
                    stop = stop | ((hc2 >= _MAXH) & (oc2 >= _MAXO))
                    return jnp.where(stop, jnp.int32(1), d)

                def lane_of_i(v, tv):
                    return lax.gather(
                        v, tv[:, None], dnums, (1,),
                        mode=lax.GatherScatterMode.PROMISE_IN_BOUNDS)[0]

                d = lax.fori_loop(0, 16, step, jnp.int32(0))
                cnt_v[pl.ds(82 * 16, 16)] = jnp.where(lane16 == 0, d, zi)

            return carry

        lax.fori_loop(0, _NP // 16, group_body, 0)
        pltpu.sync_copy(out_v, out_hbm)


@functools.cache
def _build_sc_scan():
    mesh = plsc.VectorSubcoreMesh(core_axis_name="c", subcore_axis_name="s")
    return pl.kernel(
        _sc_scan,
        out_type=jax.ShapeDtypeStruct((512,), jnp.float32),
        mesh=mesh,
        compiler_params=pltpu.CompilerParams(needs_layout_passes=False),
        scratch_types=[
            pltpu.VMEM((_NP,), jnp.int32),
            pltpu.VMEM((6, _NP), jnp.float32),
            pltpu.VMEM((6, _NP), jnp.float32),
            pltpu.VMEM((_NCLS * 16,), jnp.float32),
            pltpu.VMEM((_NCLS * 16,), jnp.float32),
            pltpu.VMEM((_NCLS * 16,), jnp.float32),
            pltpu.VMEM((_NCLS * 16,), jnp.float32),
            pltpu.VMEM((_NCLS * 16,), jnp.float32),
            pltpu.VMEM(((_NCLS + 2) * 16,), jnp.int32),
            pltpu.VMEM((512,), jnp.float32),
        ],
    )


def kernel(boxes, scores, labels):
    n = boxes.shape[0]
    pad = _NP - n
    f32 = jnp.float32
    scores_p = jnp.concatenate([scores.astype(f32),
                                jnp.full((pad,), -1.0, f32)])
    labels_p = jnp.concatenate([labels.astype(jnp.int32),
                                jnp.zeros((pad,), jnp.int32)])
    boxes_p = jnp.concatenate([boxes.astype(f32),
                               jnp.zeros((pad, 4), f32)], axis=0)
    boxesT = jnp.concatenate([boxes_p.T, jnp.zeros((4, _NP), f32)], axis=0)
    labelsf = jnp.broadcast_to(labels_p.astype(f32)[None, :], (8, _NP))
    kcol = scores_p.reshape(_NP, 1)
    krow = scores_p.reshape(_NCHUNK, 128)
    scrow = scores_p.reshape(1, _NP)

    sidx2d, rows16T = pl.pallas_call(
        _rank_kernel,
        out_shape=[
            jax.ShapeDtypeStruct((_NCHUNK, 128), jnp.int32),
            jax.ShapeDtypeStruct((16, _NP), jnp.float32),
        ],
    )(kcol, krow, boxesT, labelsf, scrow)

    out512 = _build_sc_scan()(sidx2d.reshape(_NP), rows16T)
    return out512[:480].reshape(30, 16)[:, :5]

# --- scband reference (transcript-rebuilt; emitter-appended) ---
"""Pipeline reference for scband-interaction-head-17884243821377 (READ-ONLY COPY).

The authoritative reference and input builder live on the scoring server;
editing this copy changes nothing except your own understanding.
"""

import jax, jax.numpy as jnp
import numpy as np

N = 5000
NUM_OBJ_CLASSES = 81
HUMAN_IDX = 0
NMS_THRESH = 0.5
SCORE_THRESH = 0.2
MAX_HUMAN = 15
MAX_OBJECT = 15


def _pairwise_iou(a, b):
    area_a = (a[:, 2] - a[:, 0]) * (a[:, 3] - a[:, 1])
    area_b = (b[:, 2] - b[:, 0]) * (b[:, 3] - b[:, 1])
    lt = jnp.maximum(a[:, None, :2], b[None, :, :2])
    rb = jnp.minimum(a[:, None, 2:], b[None, :, 2:])
    wh = jnp.clip(rb - lt, 0.0)
    inter = wh[..., 0] * wh[..., 1]
    union = area_a[:, None] + area_b[None, :] - inter
    return inter / jnp.maximum(union, 1e-9)


def setup_inputs(seed: int = 0) -> dict:
    key = jax.random.key(seed)
    k1, k2, k3, k4 = jax.random.split(key, 4)
    xy = jax.random.uniform(k1, (N, 2), minval=0.0, maxval=800.0)
    wh = jax.random.uniform(k2, (N, 2), minval=16.0, maxval=256.0)
    boxes = jnp.concatenate([xy, xy + wh], axis=1).astype(jnp.float32)
    scores = jax.random.uniform(k3, (N,), dtype=jnp.float32)
    labels = jax.random.randint(k4, (N,), 0, NUM_OBJ_CLASSES).astype(jnp.int32)
    return {"boxes": boxes, "scores": scores, "labels": labels}


def reference(boxes, scores, labels):
    # Faithful JAX version of InteractionHead.preprocess core (append_gt=False):
    #   1) score-threshold filter  2) class-aware (batched) NMS
    #   3) sort survivors by score 4) keep top max_human humans + top max_object objects
    valid = scores >= SCORE_THRESH
    # batched_nms trick: offset boxes per class so cross-class IoU is zero
    max_coord = jnp.max(boxes)
    offsets = labels.astype(boxes.dtype) * (max_coord + 1.0)
    boxes_nms = boxes + offsets[:, None]
    # sort descending by score; invalid boxes (score < thresh) sort after all valid ones
    order = jnp.argsort(-jnp.where(valid, scores, -1.0))
    b_s = boxes_nms[order]
    boxes_s = boxes[order]
    scores_s = scores[order]
    labels_s = labels[order]
    valid_s = valid[order]
    ious = _pairwise_iou(b_s, b_s)
    supp = (ious > NMS_THRESH) & jnp.triu(jnp.ones((N, N), dtype=bool), 1)

    def body(i, keep):
        return jnp.where(keep[i], keep & (~supp[i]), keep)

    keep = jax.lax.fori_loop(0, N, body, jnp.ones((N,), dtype=bool))
    keep = keep & valid_s
    is_h = labels_s == HUMAN_IDX
    NEG = jnp.float32(-1e9)
    h_scores = jnp.where(keep & is_h, scores_s, NEG)
    o_scores = jnp.where(keep & (~is_h), scores_s, NEG)
    vh, ih = jax.lax.top_k(h_scores, MAX_HUMAN)
    vo, io = jax.lax.top_k(o_scores, MAX_OBJECT)
    mh = vh > (NEG / 2)
    mo = vo > (NEG / 2)
    boxes_h = jnp.where(mh[:, None], boxes_s[ih], 0.0)
    boxes_o = jnp.where(mo[:, None], boxes_s[io], 0.0)
    scores_h = jnp.where(mh, vh, 0.0)
    scores_o = jnp.where(mo, vo, 0.0)
    out = jnp.concatenate([
        jnp.concatenate([boxes_h, scores_h[:, None]], axis=1),
        jnp.concatenate([boxes_o, scores_o[:, None]], axis=1),
    ], axis=0)
    return out

if __name__ == "__main__":
    import jax
    _d = setup_inputs()
    print(jax.jit(kernel)(*tuple(_d.values())))

</pallas_src>

<mosaic_0001>
#map = affine_map<(d0, d1) -> (0)>
#map1 = affine_map<(d0, d1) -> (0, 0)>
module attributes {stable_mosaic.version = 14 : i64} {
  func.func @_sc_scan(%arg0: i32, %arg1: i32, %arg2: memref<5120xi32, #tpu.memory_space<hbm>>, %arg3: memref<16x5120xf32, #tpu.memory_space<hbm>>, %arg4: memref<512xf32, #tpu.memory_space<hbm>>, %arg5: memref<5120xi32, #tpu.memory_space<vmem>>, %arg6: memref<6x5120xf32, #tpu.memory_space<vmem>>, %arg7: memref<6x5120xf32, #tpu.memory_space<vmem>>, %arg8: memref<1296xf32, #tpu.memory_space<vmem>>, %arg9: memref<1296xf32, #tpu.memory_space<vmem>>, %arg10: memref<1296xf32, #tpu.memory_space<vmem>>, %arg11: memref<1296xf32, #tpu.memory_space<vmem>>, %arg12: memref<1296xf32, #tpu.memory_space<vmem>>, %arg13: memref<1328xi32, #tpu.memory_space<vmem>>, %arg14: memref<512xf32, #tpu.memory_space<vmem>>) attributes {dimension_semantics = [#tpu.dimension_semantics<core_parallel>, #tpu.dimension_semantics<subcore_parallel>], iteration_bounds = array<i64: 2, 16>, scalar_prefetch = 0 : i64, scratch_operands = 10 : i64, tpu.core_type = #tpu.core_type<sc_vector_subcore>, window_params = [{transform_indices = #map}, {transform_indices = #map1}, {transform_indices = #map}]} {
    %iota3A = tpu.iota {dimensions = array<i32: 0>} : vector<16xi32>
    %eq3A = arith.constant 0 : i32
    %eq3A_0 = arith.cmpi eq, %arg0, %eq3A : i32
    %eq3A_1 = arith.constant 0 : i32
    %eq3A_2 = arith.cmpi eq, %arg1, %eq3A_1 : i32
    %and3A = arith.andi %eq3A_0, %eq3A_2 : i1
    %convert_element_type3A = arith.extui %and3A : i1 to i32
    %cond3A = arith.constant 0 : i32
    %cond3A_3 = arith.cmpi ne, %convert_element_type3A, %cond3A : i32
    scf.if %cond3A_3 {
      "tpu.region"() ({
        %run_scoped3A_58 = tpu.sem_alloc : memref<!tpu.dma_semaphore, #tpu.memory_space<semaphore_mem>>
        tpu.enqueue_dma source(%arg2 : memref<5120xi32, #tpu.memory_space<hbm>>) target(%arg5 : memref<5120xi32, #tpu.memory_space<vmem>>) target_semaphore(%run_scoped3A_58 : memref<!tpu.dma_semaphore, #tpu.memory_space<semaphore_mem>>)
        tpu.wait_dma2 semaphore(%run_scoped3A_58 : memref<!tpu.dma_semaphore, #tpu.memory_space<semaphore_mem>>) src(%arg2 : memref<5120xi32, #tpu.memory_space<hbm>>) dst(%arg5 : memref<5120xi32, #tpu.memory_space<vmem>>)
        tpu.yield
      }) : () -> ()
      %run_scoped3A = arith.constant 0 : i32
      %run_scoped3A_4 = arith.constant 0 : i32
      "tpu.region"() ({
        %run_scoped3A_58 = tpu.sem_alloc : memref<!tpu.dma_semaphore, #tpu.memory_space<semaphore_mem>>
        %dma_start3A = arith.constant 0 : i32
        %dma_start3A_59 = tpu.memref_slice %arg6[%run_scoped3A_4, %dma_start3A] : memref<6x5120xf32, #tpu.memory_space<vmem>> -> memref<1x5120xf32, #tpu.memory_space<vmem>>
        %dma_start3A_60 = tpu.memref_squeeze %dma_start3A_59 : memref<1x5120xf32, #tpu.memory_space<vmem>> -> memref<5120xf32, #tpu.memory_space<vmem>>
        %dma_start3A_61 = arith.constant 0 : i32
        %dma_start3A_62 = tpu.memref_slice %arg3[%run_scoped3A, %dma_start3A_61] : memref<16x5120xf32, #tpu.memory_space<hbm>> -> memref<1x5120xf32, #tpu.memory_space<hbm>>
        %dma_start3A_63 = tpu.memref_squeeze %dma_start3A_62 : memref<1x5120xf32, #tpu.memory_space<hbm>> -> memref<5120xf32, #tpu.memory_space<hbm>>
        %dma_start3A_64 = arith.constant 0 : i32
        %dma_start3A_65 = tpu.memref_slice %arg6[%run_scoped3A_4, %dma_start3A_64] : memref<6x5120xf32, #tpu.memory_space<vmem>> -> memref<1x5120xf32, #tpu.memory_space<vmem>>
        %dma_start3A_66 = tpu.memref_squeeze %dma_start3A_65 : memref<1x5120xf32, #tpu.memory_space<vmem>> -> memref<5120xf32, #tpu.memory_space<vmem>>
        %dma_start3A_67 = arith.constant 0 : i32
        %dma_start3A_68 = tpu.memref_slice %arg3[%run_scoped3A, %dma_start3A_67] : memref<16x5120xf32, #tpu.memory_space<hbm>> -> memref<1x5120xf32, #tpu.memory_space<hbm>>
        %dma_start3A_69 = tpu.memref_squeeze %dma_start3A_68 : memref<1x5120xf32, #tpu.memory_space<hbm>> -> memref<5120xf32, #tpu.memory_space<hbm>>
        tpu.enqueue_dma source(%dma_start3A_69 : memref<5120xf32, #tpu.memory_space<hbm>>) target(%dma_start3A_66 : memref<5120xf32, #tpu.memory_space<vmem>>) target_semaphore(%run_scoped3A_58 : memref<!tpu.dma_semaphore, #tpu.memory_space<semaphore_mem>>)
        %dma_wait3A = arith.constant 0 : i32
        %dma_wait3A_70 = tpu.memref_slice %arg6[%run_scoped3A_4, %dma_wait3A] : memref<6x5120xf32, #tpu.memory_space<vmem>> -> memref<1x5120xf32, #tpu.memory_space<vmem>>
        %dma_wait3A_71 = tpu.memref_squeeze %dma_wait3A_70 : memref<1x5120xf32, #tpu.memory_space<vmem>> -> memref<5120xf32, #tpu.memory_space<vmem>>
        %dma_wait3A_72 = arith.constant 0 : i32
        %dma_wait3A_73 = tpu.memref_slice %arg3[%run_scoped3A, %dma_wait3A_72] : memref<16x5120xf32, #tpu.memory_space<hbm>> -> memref<1x5120xf32, #tpu.memory_space<hbm>>
        %dma_wait3A_74 = tpu.memref_squeeze %dma_wait3A_73 : memref<1x5120xf32, #tpu.memory_space<hbm>> -> memref<5120xf32, #tpu.memory_space<hbm>>
        %dma_wait3A_75 = arith.constant 0 : i32
        %dma_wait3A_76 = tpu.memref_slice %arg6[%run_scoped3A_4, %dma_wait3A_75] : memref<6x5120xf32, #tpu.memory_space<vmem>> -> memref<1x5120xf32, #tpu.memory_space<vmem>>
        %dma_wait3A_77 = tpu.memref_squeeze %dma_wait3A_76 : memref<1x5120xf32, #tpu.memory_space<vmem>> -> memref<5120xf32, #tpu.memory_space<vmem>>
        %dma_wait3A_78 = arith.constant 0 : i32
        %dma_wait3A_79 = tpu.memref_slice %arg3[%run_scoped3A, %dma_wait3A_78] : memref<16x5120xf32, #tpu.memory_space<hbm>> -> memref<1x5120xf32, #tpu.memory_space<hbm>>
        %dma_wait3A_80 = tpu.memref_squeeze %dma_wait3A_79 : memref<1x5120xf32, #tpu.memory_space<hbm>> -> memref<5120xf32, #tpu.memory_space<hbm>>
        tpu.wait_dma2 semaphore(%run_scoped3A_58 : memref<!tpu.dma_semaphore, #tpu.memory_space<semaphore_mem>>) src(%dma_wait3A_80 : memref<5120xf32, #tpu.memory_space<hbm>>) dst(%dma_wait3A_77 : memref<5120xf32, #tpu.memory_space<vmem>>)
        tpu.yield
      }) : () -> ()
      %run_scoped3A_5 = arith.constant 1 : i32
      %run_scoped3A_6 = arith.constant 1 : i32
      "tpu.region"() ({
        %run_scoped3A_58 = tpu.sem_alloc : memref<!tpu.dma_semaphore, #tpu.memory_space<semaphore_mem>>
        %dma_start3A = arith.constant 0 : i32
        %dma_start3A_59 = tpu.memref_slice %arg6[%run_scoped3A_6, %dma_start3A] : memref<6x5120xf32, #tpu.memory_space<vmem>> -> memref<1x5120xf32, #tpu.memory_space<vmem>>
        %dma_start3A_60 = tpu.memref_squeeze %dma_start3A_59 : memref<1x5120xf32, #tpu.memory_space<vmem>> -> memref<5120xf32, #tpu.memory_space<vmem>>
        %dma_start3A_61 = arith.constant 0 : i32
        %dma_start3A_62 = tpu.memref_slice %arg3[%run_scoped3A_5, %dma_start3A_61] : memref<16x5120xf32, #tpu.memory_space<hbm>> -> memref<1x5120xf32, #tpu.memory_space<hbm>>
        %dma_start3A_63 = tpu.memref_squeeze %dma_start3A_62 : memref<1x5120xf32, #tpu.memory_space<hbm>> -> memref<5120xf32, #tpu.memory_space<hbm>>
        %dma_start3A_64 = arith.constant 0 : i32
        %dma_start3A_65 = tpu.memref_slice %arg6[%run_scoped3A_6, %dma_start3A_64] : memref<6x5120xf32, #tpu.memory_space<vmem>> -> memref<1x5120xf32, #tpu.memory_space<vmem>>
        %dma_start3A_66 = tpu.memref_squeeze %dma_start3A_65 : memref<1x5120xf32, #tpu.memory_space<vmem>> -> memref<5120xf32, #tpu.memory_space<vmem>>
        %dma_start3A_67 = arith.constant 0 : i32
        %dma_start3A_68 = tpu.memref_slice %arg3[%run_scoped3A_5, %dma_start3A_67] : memref<16x5120xf32, #tpu.memory_space<hbm>> -> memref<1x5120xf32, #tpu.memory_space<hbm>>
        %dma_start3A_69 = tpu.memref_squeeze %dma_start3A_68 : memref<1x5120xf32, #tpu.memory_space<hbm>> -> memref<5120xf32, #tpu.memory_space<hbm>>
        tpu.enqueue_dma source(%dma_start3A_69 : memref<5120xf32, #tpu.memory_space<hbm>>) target(%dma_start3A_66 : memref<5120xf32, #tpu.memory_space<vmem>>) target_semaphore(%run_scoped3A_58 : memref<!tpu.dma_semaphore, #tpu.memory_space<semaphore_mem>>)
        %dma_wait3A = arith.constant 0 : i32
        %dma_wait3A_70 = tpu.memref_slice %arg6[%run_scoped3A_6, %dma_wait3A] : memref<6x5120xf32, #tpu.memory_space<vmem>> -> memref<1x5120xf32, #tpu.memory_space<vmem>>
        %dma_wait3A_71 = tpu.memref_squeeze %dma_wait3A_70 : memref<1x5120xf32, #tpu.memory_space<vmem>> -> memref<5120xf32, #tpu.memory_space<vmem>>
        %dma_wait3A_72 = arith.constant 0 : i32
        %dma_wait3A_73 = tpu.memref_slice %arg3[%run_scoped3A_5, %dma_wait3A_72] : memref<16x5120xf32, #tpu.memory_space<hbm>> -> memref<1x5120xf32, #tpu.memory_space<hbm>>
        %dma_wait3A_74 = tpu.memref_squeeze %dma_wait3A_73 : memref<1x5120xf32, #tpu.memory_space<hbm>> -> memref<5120xf32, #tpu.memory_space<hbm>>
        %dma_wait3A_75 = arith.constant 0 : i32
        %dma_wait3A_76 = tpu.memref_slice %arg6[%run_scoped3A_6, %dma_wait3A_75] : memref<6x5120xf32, #tpu.memory_space<vmem>> -> memref<1x5120xf32, #tpu.memory_space<vmem>>
        %dma_wait3A_77 = tpu.memref_squeeze %dma_wait3A_76 : memref<1x5120xf32, #tpu.memory_space<vmem>> -> memref<5120xf32, #tpu.memory_space<vmem>>
        %dma_wait3A_78 = arith.constant 0 : i32
        %dma_wait3A_79 = tpu.memref_slice %arg3[%run_scoped3A_5, %dma_wait3A_78] : memref<16x5120xf32, #tpu.memory_space<hbm>> -> memref<1x5120xf32, #tpu.memory_space<hbm>>
        %dma_wait3A_80 = tpu.memref_squeeze %dma_wait3A_79 : memref<1x5120xf32, #tpu.memory_space<hbm>> -> memref<5120xf32, #tpu.memory_space<hbm>>
        tpu.wait_dma2 semaphore(%run_scoped3A_58 : memref<!tpu.dma_semaphore, #tpu.memory_space<semaphore_mem>>) src(%dma_wait3A_80 : memref<5120xf32, #tpu.memory_space<hbm>>) dst(%dma_wait3A_77 : memref<5120xf32, #tpu.memory_space<vmem>>)
        tpu.yield
      }) : () -> ()
      %run_scoped3A_7 = arith.constant 2 : i32
      %run_scoped3A_8 = arith.constant 2 : i32
      "tpu.region"() ({
        %run_scoped3A_58 = tpu.sem_alloc : memref<!tpu.dma_semaphore, #tpu.memory_space<semaphore_mem>>
        %dma_start3A = arith.constant 0 : i32
        %dma_start3A_59 = tpu.memref_slice %arg6[%run_scoped3A_8, %dma_start3A] : memref<6x5120xf32, #tpu.memory_space<vmem>> -> memref<1x5120xf32, #tpu.memory_space<vmem>>
        %dma_start3A_60 = tpu.memref_squeeze %dma_start3A_59 : memref<1x5120xf32, #tpu.memory_space<vmem>> -> memref<5120xf32, #tpu.memory_space<vmem>>
        %dma_start3A_61 = arith.constant 0 : i32
        %dma_start3A_62 = tpu.memref_slice %arg3[%run_scoped3A_7, %dma_start3A_61] : memref<16x5120xf32, #tpu.memory_space<hbm>> -> memref<1x5120xf32, #tpu.memory_space<hbm>>
        %dma_start3A_63 = tpu.memref_squeeze %dma_start3A_62 : memref<1x5120xf32, #tpu.memory_space<hbm>> -> memref<5120xf32, #tpu.memory_space<hbm>>
        %dma_start3A_64 = arith.constant 0 : i32
        %dma_start3A_65 = tpu.memref_slice %arg6[%run_scoped3A_8, %dma_start3A_64] : memref<6x5120xf32, #tpu.memory_space<vmem>> -> memref<1x5120xf32, #tpu.memory_space<vmem>>
        %dma_start3A_66 = tpu.memref_squeeze %dma_start3A_65 : memref<1x5120xf32, #tpu.memory_space<vmem>> -> memref<5120xf32, #tpu.memory_space<vmem>>
        %dma_start3A_67 = arith.constant 0 : i32
        %dma_start3A_68 = tpu.memref_slice %arg3[%run_scoped3A_7, %dma_start3A_67] : memref<16x5120xf32, #tpu.memory_space<hbm>> -> memref<1x5120xf32, #tpu.memory_space<hbm>>
        %dma_start3A_69 = tpu.memref_squeeze %dma_start3A_68 : memref<1x5120xf32, #tpu.memory_space<hbm>> -> memref<5120xf32, #tpu.memory_space<hbm>>
        tpu.enqueue_dma source(%dma_start3A_69 : memref<5120xf32, #tpu.memory_space<hbm>>) target(%dma_start3A_66 : memref<5120xf32, #tpu.memory_space<vmem>>) target_semaphore(%run_scoped3A_58 : memref<!tpu.dma_semaphore, #tpu.memory_space<semaphore_mem>>)
        %dma_wait3A = arith.constant 0 : i32
        %dma_wait3A_70 = tpu.memref_slice %arg6[%run_scoped3A_8, %dma_wait3A] : memref<6x5120xf32, #tpu.memory_space<vmem>> -> memref<1x5120xf32, #tpu.memory_space<vmem>>
        %dma_wait3A_71 = tpu.memref_squeeze %dma_wait3A_70 : memref<1x5120xf32, #tpu.memory_space<vmem>> -> memref<5120xf32, #tpu.memory_space<vmem>>
        %dma_wait3A_72 = arith.constant 0 : i32
        %dma_wait3A_73 = tpu.memref_slice %arg3[%run_scoped3A_7, %dma_wait3A_72] : memref<16x5120xf32, #tpu.memory_space<hbm>> -> memref<1x5120xf32, #tpu.memory_space<hbm>>
        %dma_wait3A_74 = tpu.memref_squeeze %dma_wait3A_73 : memref<1x5120xf32, #tpu.memory_space<hbm>> -> memref<5120xf32, #tpu.memory_space<hbm>>
        %dma_wait3A_75 = arith.constant 0 : i32
        %dma_wait3A_76 = tpu.memref_slice %arg6[%run_scoped3A_8, %dma_wait3A_75] : memref<6x5120xf32, #tpu.memory_space<vmem>> -> memref<1x5120xf32, #tpu.memory_space<vmem>>
        %dma_wait3A_77 = tpu.memref_squeeze %dma_wait3A_76 : memref<1x5120xf32, #tpu.memory_space<vmem>> -> memref<5120xf32, #tpu.memory_space<vmem>>
        %dma_wait3A_78 = arith.constant 0 : i32
        %dma_wait3A_79 = tpu.memref_slice %arg3[%run_scoped3A_7, %dma_wait3A_78] : memref<16x5120xf32, #tpu.memory_space<hbm>> -> memref<1x5120xf32, #tpu.memory_space<hbm>>
        %dma_wait3A_80 = tpu.memref_squeeze %dma_wait3A_79 : memref<1x5120xf32, #tpu.memory_space<hbm>> -> memref<5120xf32, #tpu.memory_space<hbm>>
        tpu.wait_dma2 semaphore(%run_scoped3A_58 : memref<!tpu.dma_semaphore, #tpu.memory_space<semaphore_mem>>) src(%dma_wait3A_80 : memref<5120xf32, #tpu.memory_space<hbm>>) dst(%dma_wait3A_77 : memref<5120xf32, #tpu.memory_space<vmem>>)
        tpu.yield
      }) : () -> ()
      %run_scoped3A_9 = arith.constant 3 : i32
      %run_scoped3A_10 = arith.constant 3 : i32
      "tpu.region"() ({
        %run_scoped3A_58 = tpu.sem_alloc : memref<!tpu.dma_semaphore, #tpu.memory_space<semaphore_mem>>
        %dma_start3A = arith.constant 0 : i32
        %dma_start3A_59 = tpu.memref_slice %arg6[%run_scoped3A_10, %dma_start3A] : memref<6x5120xf32, #tpu.memory_space<vmem>> -> memref<1x5120xf32, #tpu.memory_space<vmem>>
        %dma_start3A_60 = tpu.memref_squeeze %dma_start3A_59 : memref<1x5120xf32, #tpu.memory_space<vmem>> -> memref<5120xf32, #tpu.memory_space<vmem>>
        %dma_start3A_61 = arith.constant 0 : i32
        %dma_start3A_62 = tpu.memref_slice %arg3[%run_scoped3A_9, %dma_start3A_61] : memref<16x5120xf32, #tpu.memory_space<hbm>> -> memref<1x5120xf32, #tpu.memory_space<hbm>>
        %dma_start3A_63 = tpu.memref_squeeze %dma_start3A_62 : memref<1x5120xf32, #tpu.memory_space<hbm>> -> memref<5120xf32, #tpu.memory_space<hbm>>
        %dma_start3A_64 = arith.constant 0 : i32
        %dma_start3A_65 = tpu.memref_slice %arg6[%run_scoped3A_10, %dma_start3A_64] : memref<6x5120xf32, #tpu.memory_space<vmem>> -> memref<1x5120xf32, #tpu.memory_space<vmem>>
        %dma_start3A_66 = tpu.memref_squeeze %dma_start3A_65 : memref<1x5120xf32, #tpu.memory_space<vmem>> -> memref<5120xf32, #tpu.memory_space<vmem>>
        %dma_start3A_67 = arith.constant 0 : i32
        %dma_start3A_68 = tpu.memref_slice %arg3[%run_scoped3A_9, %dma_start3A_67] : memref<16x5120xf32, #tpu.memory_space<hbm>> -> memref<1x5120xf32, #tpu.memory_space<hbm>>
        %dma_start3A_69 = tpu.memref_squeeze %dma_start3A_68 : memref<1x5120xf32, #tpu.memory_space<hbm>> -> memref<5120xf32, #tpu.memory_space<hbm>>
        tpu.enqueue_dma source(%dma_start3A_69 : memref<5120xf32, #tpu.memory_space<hbm>>) target(%dma_start3A_66 : memref<5120xf32, #tpu.memory_space<vmem>>) target_semaphore(%run_scoped3A_58 : memref<!tpu.dma_semaphore, #tpu.memory_space<semaphore_mem>>)
        %dma_wait3A = arith.constant 0 : i32
        %dma_wait3A_70 = tpu.memref_slice %arg6[%run_scoped3A_10, %dma_wait3A] : memref<6x5120xf32, #tpu.memory_space<vmem>> -> memref<1x5120xf32, #tpu.memory_space<vmem>>
        %dma_wait3A_71 = tpu.memref_squeeze %dma_wait3A_70 : memref<1x5120xf32, #tpu.memory_space<vmem>> -> memref<5120xf32, #tpu.memory_space<vmem>>
        %dma_wait3A_72 = arith.constant 0 : i32
        %dma_wait3A_73 = tpu.memref_slice %arg3[%run_scoped3A_9, %dma_wait3A_72] : memref<16x5120xf32, #tpu.memory_space<hbm>> -> memref<1x5120xf32, #tpu.memory_space<hbm>>
        %dma_wait3A_74 = tpu.memref_squeeze %dma_wait3A_73 : memref<1x5120xf32, #tpu.memory_space<hbm>> -> memref<5120xf32, #tpu.memory_space<hbm>>
        %dma_wait3A_75 = arith.constant 0 : i32
        %dma_wait3A_76 = tpu.memref_slice %arg6[%run_scoped3A_10, %dma_wait3A_75] : memref<6x5120xf32, #tpu.memory_space<vmem>> -> memref<1x5120xf32, #tpu.memory_space<vmem>>
        %dma_wait3A_77 = tpu.memref_squeeze %dma_wait3A_76 : memref<1x5120xf32, #tpu.memory_space<vmem>> -> memref<5120xf32, #tpu.memory_space<vmem>>
        %dma_wait3A_78 = arith.constant 0 : i32
        %dma_wait3A_79 = tpu.memref_slice %arg3[%run_scoped3A_9, %dma_wait3A_78] : memref<16x5120xf32, #tpu.memory_space<hbm>> -> memref<1x5120xf32, #tpu.memory_space<hbm>>
        %dma_wait3A_80 = tpu.memref_squeeze %dma_wait3A_79 : memref<1x5120xf32, #tpu.memory_space<hbm>> -> memref<5120xf32, #tpu.memory_space<hbm>>
        tpu.wait_dma2 semaphore(%run_scoped3A_58 : memref<!tpu.dma_semaphore, #tpu.memory_space<semaphore_mem>>) src(%dma_wait3A_80 : memref<5120xf32, #tpu.memory_space<hbm>>) dst(%dma_wait3A_77 : memref<5120xf32, #tpu.memory_space<vmem>>)
        tpu.yield
      }) : () -> ()
      %run_scoped3A_11 = arith.constant 8 : i32
      %run_scoped3A_12 = arith.constant 4 : i32
      "tpu.region"() ({
        %run_scoped3A_58 = tpu.sem_alloc : memref<!tpu.dma_semaphore, #tpu.memory_space<semaphore_mem>>
        %dma_start3A = arith.constant 0 : i32
        %dma_start3A_59 = tpu.memref_slice %arg6[%run_scoped3A_12, %dma_start3A] : memref<6x5120xf32, #tpu.memory_space<vmem>> -> memref<1x5120xf32, #tpu.memory_space<vmem>>
        %dma_start3A_60 = tpu.memref_squeeze %dma_start3A_59 : memref<1x5120xf32, #tpu.memory_space<vmem>> -> memref<5120xf32, #tpu.memory_space<vmem>>
        %dma_start3A_61 = arith.constant 0 : i32
        %dma_start3A_62 = tpu.memref_slice %arg3[%run_scoped3A_11, %dma_start3A_61] : memref<16x5120xf32, #tpu.memory_space<hbm>> -> memref<1x5120xf32, #tpu.memory_space<hbm>>
        %dma_start3A_63 = tpu.memref_squeeze %dma_start3A_62 : memref<1x5120xf32, #tpu.memory_space<hbm>> -> memref<5120xf32, #tpu.memory_space<hbm>>
        %dma_start3A_64 = arith.constant 0 : i32
        %dma_start3A_65 = tpu.memref_slice %arg6[%run_scoped3A_12, %dma_start3A_64] : memref<6x5120xf32, #tpu.memory_space<vmem>> -> memref<1x5120xf32, #tpu.memory_space<vmem>>
        %dma_start3A_66 = tpu.memref_squeeze %dma_start3A_65 : memref<1x5120xf32, #tpu.memory_space<vmem>> -> memref<5120xf32, #tpu.memory_space<vmem>>
        %dma_start3A_67 = arith.constant 0 : i32
        %dma_start3A_68 = tpu.memref_slice %arg3[%run_scoped3A_11, %dma_start3A_67] : memref<16x5120xf32, #tpu.memory_space<hbm>> -> memref<1x5120xf32, #tpu.memory_space<hbm>>
        %dma_start3A_69 = tpu.memref_squeeze %dma_start3A_68 : memref<1x5120xf32, #tpu.memory_space<hbm>> -> memref<5120xf32, #tpu.memory_space<hbm>>
        tpu.enqueue_dma source(%dma_start3A_69 : memref<5120xf32, #tpu.memory_space<hbm>>) target(%dma_start3A_66 : memref<5120xf32, #tpu.memory_space<vmem>>) target_semaphore(%run_scoped3A_58 : memref<!tpu.dma_semaphore, #tpu.memory_space<semaphore_mem>>)
        %dma_wait3A = arith.constant 0 : i32
        %dma_wait3A_70 = tpu.memref_slice %arg6[%run_scoped3A_12, %dma_wait3A] : memref<6x5120xf32, #tpu.memory_space<vmem>> -> memref<1x5120xf32, #tpu.memory_space<vmem>>
        %dma_wait3A_71 = tpu.memref_squeeze %dma_wait3A_70 : memref<1x5120xf32, #tpu.memory_space<vmem>> -> memref<5120xf32, #tpu.memory_space<vmem>>
        %dma_wait3A_72 = arith.constant 0 : i32
        %dma_wait3A_73 = tpu.memref_slice %arg3[%run_scoped3A_11, %dma_wait3A_72] : memref<16x5120xf32, #tpu.memory_space<hbm>> -> memref<1x5120xf32, #tpu.memory_space<hbm>>
        %dma_wait3A_74 = tpu.memref_squeeze %dma_wait3A_73 : memref<1x5120xf32, #tpu.memory_space<hbm>> -> memref<5120xf32, #tpu.memory_space<hbm>>
        %dma_wait3A_75 = arith.constant 0 : i32
        %dma_wait3A_76 = tpu.memref_slice %arg6[%run_scoped3A_12, %dma_wait3A_75] : memref<6x5120xf32, #tpu.memory_space<vmem>> -> memref<1x5120xf32, #tpu.memory_space<vmem>>
        %dma_wait3A_77 = tpu.memref_squeeze %dma_wait3A_76 : memref<1x5120xf32, #tpu.memory_space<vmem>> -> memref<5120xf32, #tpu.memory_space<vmem>>
        %dma_wait3A_78 = arith.constant 0 : i32
        %dma_wait3A_79 = tpu.memref_slice %arg3[%run_scoped3A_11, %dma_wait3A_78] : memref<16x5120xf32, #tpu.memory_space<hbm>> -> memref<1x5120xf32, #tpu.memory_space<hbm>>
        %dma_wait3A_80 = tpu.memref_squeeze %dma_wait3A_79 : memref<1x5120xf32, #tpu.memory_space<hbm>> -> memref<5120xf32, #tpu.memory_space<hbm>>
        tpu.wait_dma2 semaphore(%run_scoped3A_58 : memref<!tpu.dma_semaphore, #tpu.memory_space<semaphore_mem>>) src(%dma_wait3A_80 : memref<5120xf32, #tpu.memory_space<hbm>>) dst(%dma_wait3A_77 : memref<5120xf32, #tpu.memory_space<vmem>>)
        tpu.yield
      }) : () -> ()
      %run_scoped3A_13 = arith.constant 9 : i32
      %run_scoped3A_14 = arith.constant 5 : i32
      "tpu.region"() ({
        %run_scoped3A_58 = tpu.sem_alloc : memref<!tpu.dma_semaphore, #tpu.memory_space<semaphore_mem>>
        %dma_start3A = arith.constant 0 : i32
        %dma_start3A_59 = tpu.memref_slice %arg6[%run_scoped3A_14, %dma_start3A] : memref<6x5120xf32, #tpu.memory_space<vmem>> -> memref<1x5120xf32, #tpu.memory_space<vmem>>
        %dma_start3A_60 = tpu.memref_squeeze %dma_start3A_59 : memref<1x5120xf32, #tpu.memory_space<vmem>> -> memref<5120xf32, #tpu.memory_space<vmem>>
        %dma_start3A_61 = arith.constant 0 : i32
        %dma_start3A_62 = tpu.memref_slice %arg3[%run_scoped3A_13, %dma_start3A_61] : memref<16x5120xf32, #tpu.memory_space<hbm>> -> memref<1x5120xf32, #tpu.memory_space<hbm>>
        %dma_start3A_63 = tpu.memref_squeeze %dma_start3A_62 : memref<1x5120xf32, #tpu.memory_space<hbm>> -> memref<5120xf32, #tpu.memory_space<hbm>>
        %dma_start3A_64 = arith.constant 0 : i32
        %dma_start3A_65 = tpu.memref_slice %arg6[%run_scoped3A_14, %dma_start3A_64] : memref<6x5120xf32, #tpu.memory_space<vmem>> -> memref<1x5120xf32, #tpu.memory_space<vmem>>
        %dma_start3A_66 = tpu.memref_squeeze %dma_start3A_65 : memref<1x5120xf32, #tpu.memory_space<vmem>> -> memref<5120xf32, #tpu.memory_space<vmem>>
        %dma_start3A_67 = arith.constant 0 : i32
        %dma_start3A_68 = tpu.memref_slice %arg3[%run_scoped3A_13, %dma_start3A_67] : memref<16x5120xf32, #tpu.memory_space<hbm>> -> memref<1x5120xf32, #tpu.memory_space<hbm>>
        %dma_start3A_69 = tpu.memref_squeeze %dma_start3A_68 : memref<1x5120xf32, #tpu.memory_space<hbm>> -> memref<5120xf32, #tpu.memory_space<hbm>>
        tpu.enqueue_dma source(%dma_start3A_69 : memref<5120xf32, #tpu.memory_space<hbm>>) target(%dma_start3A_66 : memref<5120xf32, #tpu.memory_space<vmem>>) target_semaphore(%run_scoped3A_58 : memref<!tpu.dma_semaphore, #tpu.memory_space<semaphore_mem>>)
        %dma_wait3A = arith.constant 0 : i32
        %dma_wait3A_70 = tpu.memref_slice %arg6[%run_scoped3A_14, %dma_wait3A] : memref<6x5120xf32, #tpu.memory_space<vmem>> -> memref<1x5120xf32, #tpu.memory_space<vmem>>
        %dma_wait3A_71 = tpu.memref_squeeze %dma_wait3A_70 : memref<1x5120xf32, #tpu.memory_space<vmem>> -> memref<5120xf32, #tpu.memory_space<vmem>>
        %dma_wait3A_72 = arith.constant 0 : i32
        %dma_wait3A_73 = tpu.memref_slice %arg3[%run_scoped3A_13, %dma_wait3A_72] : memref<16x5120xf32, #tpu.memory_space<hbm>> -> memref<1x5120xf32, #tpu.memory_space<hbm>>
        %dma_wait3A_74 = tpu.memref_squeeze %dma_wait3A_73 : memref<1x5120xf32, #tpu.memory_space<hbm>> -> memref<5120xf32, #tpu.memory_space<hbm>>
        %dma_wait3A_75 = arith.constant 0 : i32
        %dma_wait3A_76 = tpu.memref_slice %arg6[%run_scoped3A_14, %dma_wait3A_75] : memref<6x5120xf32, #tpu.memory_space<vmem>> -> memref<1x5120xf32, #tpu.memory_space<vmem>>
        %dma_wait3A_77 = tpu.memref_squeeze %dma_wait3A_76 : memref<1x5120xf32, #tpu.memory_space<vmem>> -> memref<5120xf32, #tpu.memory_space<vmem>>
        %dma_wait3A_78 = arith.constant 0 : i32
        %dma_wait3A_79 = tpu.memref_slice %arg3[%run_scoped3A_13, %dma_wait3A_78] : memref<16x5120xf32, #tpu.memory_space<hbm>> -> memref<1x5120xf32, #tpu.memory_space<hbm>>
        %dma_wait3A_80 = tpu.memref_squeeze %dma_wait3A_79 : memref<1x5120xf32, #tpu.memory_space<hbm>> -> memref<5120xf32, #tpu.memory_space<hbm>>
        tpu.wait_dma2 semaphore(%run_scoped3A_58 : memref<!tpu.dma_semaphore, #tpu.memory_space<semaphore_mem>>) src(%dma_wait3A_80 : memref<5120xf32, #tpu.memory_space<hbm>>) dst(%dma_wait3A_77 : memref<5120xf32, #tpu.memory_space<vmem>>)
        tpu.yield
      }) : () -> ()
      %broadcast_in_dim3A = arith.constant 0.000000e+00 : f32
      %broadcast_in_dim3A_15 = vector.broadcast %broadcast_in_dim3A : f32 to vector<16xf32>
      %broadcast_in_dim3A_16 = arith.constant 0 : i32
      %broadcast_in_dim3A_17 = vector.broadcast %broadcast_in_dim3A_16 : i32 to vector<16xi32>
      %scan3A = arith.constant 0 : i32
      %scan3A_18 = arith.constant 0 : i32
      %scan3A_19 = arith.constant 320 : i32
      %scan3A_20 = arith.addi %scan3A_18, %scan3A_19 : i32
      %scan3A_21 = arith.constant 1 : i32
      scf.for %scan3A_58 = %scan3A_18 to %scan3A_20 step %scan3A_21  : i32 {
        %mul3A = arith.constant 16 : i32
        %mul3A_59 = arith.muli %scan3A_58, %mul3A : i32
        %get3A = arith.index_cast %mul3A_59 : i32 to index
        %get3A_60 = tpu.vector_load %arg5[%get3A] {strides = array<i32>} : memref<5120xi32, #tpu.memory_space<vmem>>, vector<16xi32>,
        %broadcast_in_dim3A_61 = arith.constant 0 : i32
        %broadcast_in_dim3A_62 = vector.broadcast %broadcast_in_dim3A_61 : i32 to vector<16xi32>
        %gather3A = tpu.vector_load_idx %arg6[%broadcast_in_dim3A_62, %get3A_60] : memref<6x5120xf32, #tpu.memory_space<vmem>>[vector<16xi32>, vector<16xi32>], vector<16xf32>,
        %mul3A_63 = arith.constant 16 : i32
        %mul3A_64 = arith.muli %scan3A_58, %mul3A_63 : i32
        %swap3A = arith.constant 0 : i32
        %swap3A_65 = arith.index_cast %swap3A : i32 to index
        %swap3A_66 = arith.index_cast %mul3A_64 : i32 to index
        %swap3A_67 = tpu.vector_load %arg7[%swap3A_65, %swap3A_66] {strides = array<i32>} : memref<6x5120xf32, #tpu.memory_space<vmem>>, vector<16xf32>,
        tpu.vector_store %arg7[%swap3A_65, %swap3A_66], %gather3A {strides = array<i32>} : memref<6x5120xf32, #tpu.memory_space<vmem>>, vector<16xf32>,
        %broadcast_in_dim3A_68 = arith.constant 1 : i32
        %broadcast_in_dim3A_69 = vector.broadcast %broadcast_in_dim3A_68 : i32 to vector<16xi32>
        %gather3A_70 = tpu.vector_load_idx %arg6[%broadcast_in_dim3A_69, %get3A_60] : memref<6x5120xf32, #tpu.memory_space<vmem>>[vector<16xi32>, vector<16xi32>], vector<16xf32>,
        %mul3A_71 = arith.constant 16 : i32
        %mul3A_72 = arith.muli %scan3A_58, %mul3A_71 : i32
        %swap3A_73 = arith.constant 1 : i32
        %swap3A_74 = arith.index_cast %swap3A_73 : i32 to index
        %swap3A_75 = arith.index_cast %mul3A_72 : i32 to index
        %swap3A_76 = tpu.vector_load %arg7[%swap3A_74, %swap3A_75] {strides = array<i32>} : memref<6x5120xf32, #tpu.memory_space<vmem>>, vector<16xf32>,
        tpu.vector_store %arg7[%swap3A_74, %swap3A_75], %gather3A_70 {strides = array<i32>} : memref<6x5120xf32, #tpu.memory_space<vmem>>, vector<16xf32>,
        %broadcast_in_dim3A_77 = arith.constant 2 : i32
        %broadcast_in_dim3A_78 = vector.broadcast %broadcast_in_dim3A_77 : i32 to vector<16xi32>
        %gather3A_79 = tpu.vector_load_idx %arg6[%broadcast_in_dim3A_78, %get3A_60] : memref<6x5120xf32, #tpu.memory_space<vmem>>[vector<16xi32>, vector<16xi32>], vector<16xf32>,
        %mul3A_80 = arith.constant 16 : i32
        %mul3A_81 = arith.muli %scan3A_58, %mul3A_80 : i32
        %swap3A_82 = arith.constant 2 : i32
        %swap3A_83 = arith.index_cast %swap3A_82 : i32 to index
        %swap3A_84 = arith.index_cast %mul3A_81 : i32 to index
        %swap3A_85 = tpu.vector_load %arg7[%swap3A_83, %swap3A_84] {strides = array<i32>} : memref<6x5120xf32, #tpu.memory_space<vmem>>, vector<16xf32>,
        tpu.vector_store %arg7[%swap3A_83, %swap3A_84], %gather3A_79 {strides = array<i32>} : memref<6x5120xf32, #tpu.memory_space<vmem>>, vector<16xf32>,
        %broadcast_in_dim3A_86 = arith.constant 3 : i32
        %broadcast_in_dim3A_87 = vector.broadcast %broadcast_in_dim3A_86 : i32 to vector<16xi32>
        %gather3A_88 = tpu.vector_load_idx %arg6[%broadcast_in_dim3A_87, %get3A_60] : memref<6x5120xf32, #tpu.memory_space<vmem>>[vector<16xi32>, vector<16xi32>], vector<16xf32>,
        %mul3A_89 = arith.constant 16 : i32
        %mul3A_90 = arith.muli %scan3A_58, %mul3A_89 : i32
        %swap3A_91 = arith.constant 3 : i32
        %swap3A_92 = arith.index_cast %swap3A_91 : i32 to index
        %swap3A_93 = arith.index_cast %mul3A_90 : i32 to index
        %swap3A_94 = tpu.vector_load %arg7[%swap3A_92, %swap3A_93] {strides = array<i32>} : memref<6x5120xf32, #tpu.memory_space<vmem>>, vector<16xf32>,
        tpu.vector_store %arg7[%swap3A_92, %swap3A_93], %gather3A_88 {strides = array<i32>} : memref<6x5120xf32, #tpu.memory_space<vmem>>, vector<16xf32>,
        %broadcast_in_dim3A_95 = arith.constant 4 : i32
        %broadcast_in_dim3A_96 = vector.broadcast %broadcast_in_dim3A_95 : i32 to vector<16xi32>
        %gather3A_97 = tpu.vector_load_idx %arg6[%broadcast_in_dim3A_96, %get3A_60] : memref<6x5120xf32, #tpu.memory_space<vmem>>[vector<16xi32>, vector<16xi32>], vector<16xf32>,
        %mul3A_98 = arith.constant 16 : i32
        %mul3A_99 = arith.muli %scan3A_58, %mul3A_98 : i32
        %swap3A_100 = arith.constant 4 : i32
        %swap3A_101 = arith.index_cast %swap3A_100 : i32 to index
        %swap3A_102 = arith.index_cast %mul3A_99 : i32 to index
        %swap3A_103 = tpu.vector_load %arg7[%swap3A_101, %swap3A_102] {strides = array<i32>} : memref<6x5120xf32, #tpu.memory_space<vmem>>, vector<16xf32>,
        tpu.vector_store %arg7[%swap3A_101, %swap3A_102], %gather3A_97 {strides = array<i32>} : memref<6x5120xf32, #tpu.memory_space<vmem>>, vector<16xf32>,
        %broadcast_in_dim3A_104 = arith.constant 5 : i32
        %broadcast_in_dim3A_105 = vector.broadcast %broadcast_in_dim3A_104 : i32 to vector<16xi32>
        %gather3A_106 = tpu.vector_load_idx %arg6[%broadcast_in_dim3A_105, %get3A_60] : memref<6x5120xf32, #tpu.memory_space<vmem>>[vector<16xi32>, vector<16xi32>], vector<16xf32>,
        %mul3A_107 = arith.constant 16 : i32
        %mul3A_108 = arith.muli %scan3A_58, %mul3A_107 : i32
        %swap3A_109 = arith.constant 5 : i32
        %swap3A_110 = arith.index_cast %swap3A_109 : i32 to index
        %swap3A_111 = arith.index_cast %mul3A_108 : i32 to index
        %swap3A_112 = tpu.vector_load %arg7[%swap3A_110, %swap3A_111] {strides = array<i32>} : memref<6x5120xf32, #tpu.memory_space<vmem>>, vector<16xf32>,
        tpu.vector_store %arg7[%swap3A_110, %swap3A_111], %gather3A_106 {strides = array<i32>} : memref<6x5120xf32, #tpu.memory_space<vmem>>, vector<16xf32>,
      }
      %scan3A_22 = arith.constant 320 : i32
      %run_scoped3A_23 = arith.constant 4 : i32
      %run_scoped3A_24 = arith.constant 0 : i32
      "tpu.region"() ({
        %run_scoped3A_58 = tpu.sem_alloc : memref<!tpu.dma_semaphore, #tpu.memory_space<semaphore_mem>>
        %dma_start3A = arith.constant 0 : i32
        %dma_start3A_59 = tpu.memref_slice %arg6[%run_scoped3A_24, %dma_start3A] : memref<6x5120xf32, #tpu.memory_space<vmem>> -> memref<1x5120xf32, #tpu.memory_space<vmem>>
        %dma_start3A_60 = tpu.memref_squeeze %dma_start3A_59 : memref<1x5120xf32, #tpu.memory_space<vmem>> -> memref<5120xf32, #tpu.memory_space<vmem>>
        %dma_start3A_61 = arith.constant 0 : i32
        %dma_start3A_62 = tpu.memref_slice %arg3[%run_scoped3A_23, %dma_start3A_61] : memref<16x5120xf32, #tpu.memory_space<hbm>> -> memref<1x5120xf32, #tpu.memory_space<hbm>>
        %dma_start3A_63 = tpu.memref_squeeze %dma_start3A_62 : memref<1x5120xf32, #tpu.memory_space<hbm>> -> memref<5120xf32, #tpu.memory_space<hbm>>
        %dma_start3A_64 = arith.constant 0 : i32
        %dma_start3A_65 = tpu.memref_slice %arg6[%run_scoped3A_24, %dma_start3A_64] : memref<6x5120xf32, #tpu.memory_space<vmem>> -> memref<1x5120xf32, #tpu.memory_space<vmem>>
        %dma_start3A_66 = tpu.memref_squeeze %dma_start3A_65 : memref<1x5120xf32, #tpu.memory_space<vmem>> -> memref<5120xf32, #tpu.memory_space<vmem>>
        %dma_start3A_67 = arith.constant 0 : i32
        %dma_start3A_68 = tpu.memref_slice %arg3[%run_scoped3A_23, %dma_start3A_67] : memref<16x5120xf32, #tpu.memory_space<hbm>> -> memref<1x5120xf32, #tpu.memory_space<hbm>>
        %dma_start3A_69 = tpu.memref_squeeze %dma_start3A_68 : memref<1x5120xf32, #tpu.memory_space<hbm>> -> memref<5120xf32, #tpu.memory_space<hbm>>
        tpu.enqueue_dma source(%dma_start3A_69 : memref<5120xf32, #tpu.memory_space<hbm>>) target(%dma_start3A_66 : memref<5120xf32, #tpu.memory_space<vmem>>) target_semaphore(%run_scoped3A_58 : memref<!tpu.dma_semaphore, #tpu.memory_space<semaphore_mem>>)
        %dma_wait3A = arith.constant 0 : i32
        %dma_wait3A_70 = tpu.memref_slice %arg6[%run_scoped3A_24, %dma_wait3A] : memref<6x5120xf32, #tpu.memory_space<vmem>> -> memref<1x5120xf32, #tpu.memory_space<vmem>>
        %dma_wait3A_71 = tpu.memref_squeeze %dma_wait3A_70 : memref<1x5120xf32, #tpu.memory_space<vmem>> -> memref<5120xf32, #tpu.memory_space<vmem>>
        %dma_wait3A_72 = arith.constant 0 : i32
        %dma_wait3A_73 = tpu.memref_slice %arg3[%run_scoped3A_23, %dma_wait3A_72] : memref<16x5120xf32, #tpu.memory_space<hbm>> -> memref<1x5120xf32, #tpu.memory_space<hbm>>
        %dma_wait3A_74 = tpu.memref_squeeze %dma_wait3A_73 : memref<1x5120xf32, #tpu.memory_space<hbm>> -> memref<5120xf32, #tpu.memory_space<hbm>>
        %dma_wait3A_75 = arith.constant 0 : i32
        %dma_wait3A_76 = tpu.memref_slice %arg6[%run_scoped3A_24, %dma_wait3A_75] : memref<6x5120xf32, #tpu.memory_space<vmem>> -> memref<1x5120xf32, #tpu.memory_space<vmem>>
        %dma_wait3A_77 = tpu.memref_squeeze %dma_wait3A_76 : memref<1x5120xf32, #tpu.memory_space<vmem>> -> memref<5120xf32, #tpu.memory_space<vmem>>
        %dma_wait3A_78 = arith.constant 0 : i32
        %dma_wait3A_79 = tpu.memref_slice %arg3[%run_scoped3A_23, %dma_wait3A_78] : memref<16x5120xf32, #tpu.memory_space<hbm>> -> memref<1x5120xf32, #tpu.memory_space<hbm>>
        %dma_wait3A_80 = tpu.memref_squeeze %dma_wait3A_79 : memref<1x5120xf32, #tpu.memory_space<hbm>> -> memref<5120xf32, #tpu.memory_space<hbm>>
        tpu.wait_dma2 semaphore(%run_scoped3A_58 : memref<!tpu.dma_semaphore, #tpu.memory_space<semaphore_mem>>) src(%dma_wait3A_80 : memref<5120xf32, #tpu.memory_space<hbm>>) dst(%dma_wait3A_77 : memref<5120xf32, #tpu.memory_space<vmem>>)
        tpu.yield
      }) : () -> ()
      %run_scoped3A_25 = arith.constant 5 : i32
      %run_scoped3A_26 = arith.constant 1 : i32
      "tpu.region"() ({
        %run_scoped3A_58 = tpu.sem_alloc : memref<!tpu.dma_semaphore, #tpu.memory_space<semaphore_mem>>
        %dma_start3A = arith.constant 0 : i32
        %dma_start3A_59 = tpu.memref_slice %arg6[%run_scoped3A_26, %dma_start3A] : memref<6x5120xf32, #tpu.memory_space<vmem>> -> memref<1x5120xf32, #tpu.memory_space<vmem>>
        %dma_start3A_60 = tpu.memref_squeeze %dma_start3A_59 : memref<1x5120xf32, #tpu.memory_space<vmem>> -> memref<5120xf32, #tpu.memory_space<vmem>>
        %dma_start3A_61 = arith.constant 0 : i32
        %dma_start3A_62 = tpu.memref_slice %arg3[%run_scoped3A_25, %dma_start3A_61] : memref<16x5120xf32, #tpu.memory_space<hbm>> -> memref<1x5120xf32, #tpu.memory_space<hbm>>
        %dma_start3A_63 = tpu.memref_squeeze %dma_start3A_62 : memref<1x5120xf32, #tpu.memory_space<hbm>> -> memref<5120xf32, #tpu.memory_space<hbm>>
        %dma_start3A_64 = arith.constant 0 : i32
        %dma_start3A_65 = tpu.memref_slice %arg6[%run_scoped3A_26, %dma_start3A_64] : memref<6x5120xf32, #tpu.memory_space<vmem>> -> memref<1x5120xf32, #tpu.memory_space<vmem>>
        %dma_start3A_66 = tpu.memref_squeeze %dma_start3A_65 : memref<1x5120xf32, #tpu.memory_space<vmem>> -> memref<5120xf32, #tpu.memory_space<vmem>>
        %dma_start3A_67 = arith.constant 0 : i32
        %dma_start3A_68 = tpu.memref_slice %arg3[%run_scoped3A_25, %dma_start3A_67] : memref<16x5120xf32, #tpu.memory_space<hbm>> -> memref<1x5120xf32, #tpu.memory_space<hbm>>
        %dma_start3A_69 = tpu.memref_squeeze %dma_start3A_68 : memref<1x5120xf32, #tpu.memory_space<hbm>> -> memref<5120xf32, #tpu.memory_space<hbm>>
        tpu.enqueue_dma source(%dma_start3A_69 : memref<5120xf32, #tpu.memory_space<hbm>>) target(%dma_start3A_66 : memref<5120xf32, #tpu.memory_space<vmem>>) target_semaphore(%run_scoped3A_58 : memref<!tpu.dma_semaphore, #tpu.memory_space<semaphore_mem>>)
        %dma_wait3A = arith.constant 0 : i32
        %dma_wait3A_70 = tpu.memref_slice %arg6[%run_scoped3A_26, %dma_wait3A] : memref<6x5120xf32, #tpu.memory_space<vmem>> -> memref<1x5120xf32, #tpu.memory_space<vmem>>
        %dma_wait3A_71 = tpu.memref_squeeze %dma_wait3A_70 : memref<1x5120xf32, #tpu.memory_space<vmem>> -> memref<5120xf32, #tpu.memory_space<vmem>>
        %dma_wait3A_72 = arith.constant 0 : i32
        %dma_wait3A_73 = tpu.memref_slice %arg3[%run_scoped3A_25, %dma_wait3A_72] : memref<16x5120xf32, #tpu.memory_space<hbm>> -> memref<1x5120xf32, #tpu.memory_space<hbm>>
        %dma_wait3A_74 = tpu.memref_squeeze %dma_wait3A_73 : memref<1x5120xf32, #tpu.memory_space<hbm>> -> memref<5120xf32, #tpu.memory_space<hbm>>
        %dma_wait3A_75 = arith.constant 0 : i32
        %dma_wait3A_76 = tpu.memref_slice %arg6[%run_scoped3A_26, %dma_wait3A_75] : memref<6x5120xf32, #tpu.memory_space<vmem>> -> memref<1x5120xf32, #tpu.memory_space<vmem>>
        %dma_wait3A_77 = tpu.memref_squeeze %dma_wait3A_76 : memref<1x5120xf32, #tpu.memory_space<vmem>> -> memref<5120xf32, #tpu.memory_space<vmem>>
        %dma_wait3A_78 = arith.constant 0 : i32
        %dma_wait3A_79 = tpu.memref_slice %arg3[%run_scoped3A_25, %dma_wait3A_78] : memref<16x5120xf32, #tpu.memory_space<hbm>> -> memref<1x5120xf32, #tpu.memory_space<hbm>>
        %dma_wait3A_80 = tpu.memref_squeeze %dma_wait3A_79 : memref<1x5120xf32, #tpu.memory_space<hbm>> -> memref<5120xf32, #tpu.memory_space<hbm>>
        tpu.wait_dma2 semaphore(%run_scoped3A_58 : memref<!tpu.dma_semaphore, #tpu.memory_space<semaphore_mem>>) src(%dma_wait3A_80 : memref<5120xf32, #tpu.memory_space<hbm>>) dst(%dma_wait3A_77 : memref<5120xf32, #tpu.memory_space<vmem>>)
        tpu.yield
      }) : () -> ()
      %run_scoped3A_27 = arith.constant 6 : i32
      %run_scoped3A_28 = arith.constant 2 : i32
      "tpu.region"() ({
        %run_scoped3A_58 = tpu.sem_alloc : memref<!tpu.dma_semaphore, #tpu.memory_space<semaphore_mem>>
        %dma_start3A = arith.constant 0 : i32
        %dma_start3A_59 = tpu.memref_slice %arg6[%run_scoped3A_28, %dma_start3A] : memref<6x5120xf32, #tpu.memory_space<vmem>> -> memref<1x5120xf32, #tpu.memory_space<vmem>>
        %dma_start3A_60 = tpu.memref_squeeze %dma_start3A_59 : memref<1x5120xf32, #tpu.memory_space<vmem>> -> memref<5120xf32, #tpu.memory_space<vmem>>
        %dma_start3A_61 = arith.constant 0 : i32
        %dma_start3A_62 = tpu.memref_slice %arg3[%run_scoped3A_27, %dma_start3A_61] : memref<16x5120xf32, #tpu.memory_space<hbm>> -> memref<1x5120xf32, #tpu.memory_space<hbm>>
        %dma_start3A_63 = tpu.memref_squeeze %dma_start3A_62 : memref<1x5120xf32, #tpu.memory_space<hbm>> -> memref<5120xf32, #tpu.memory_space<hbm>>
        %dma_start3A_64 = arith.constant 0 : i32
        %dma_start3A_65 = tpu.memref_slice %arg6[%run_scoped3A_28, %dma_start3A_64] : memref<6x5120xf32, #tpu.memory_space<vmem>> -> memref<1x5120xf32, #tpu.memory_space<vmem>>
        %dma_start3A_66 = tpu.memref_squeeze %dma_start3A_65 : memref<1x5120xf32, #tpu.memory_space<vmem>> -> memref<5120xf32, #tpu.memory_space<vmem>>
        %dma_start3A_67 = arith.constant 0 : i32
        %dma_start3A_68 = tpu.memref_slice %arg3[%run_scoped3A_27, %dma_start3A_67] : memref<16x5120xf32, #tpu.memory_space<hbm>> -> memref<1x5120xf32, #tpu.memory_space<hbm>>
        %dma_start3A_69 = tpu.memref_squeeze %dma_start3A_68 : memref<1x5120xf32, #tpu.memory_space<hbm>> -> memref<5120xf32, #tpu.memory_space<hbm>>
        tpu.enqueue_dma source(%dma_start3A_69 : memref<5120xf32, #tpu.memory_space<hbm>>) target(%dma_start3A_66 : memref<5120xf32, #tpu.memory_space<vmem>>) target_semaphore(%run_scoped3A_58 : memref<!tpu.dma_semaphore, #tpu.memory_space<semaphore_mem>>)
        %dma_wait3A = arith.constant 0 : i32
        %dma_wait3A_70 = tpu.memref_slice %arg6[%run_scoped3A_28, %dma_wait3A] : memref<6x5120xf32, #tpu.memory_space<vmem>> -> memref<1x5120xf32, #tpu.memory_space<vmem>>
        %dma_wait3A_71 = tpu.memref_squeeze %dma_wait3A_70 : memref<1x5120xf32, #tpu.memory_space<vmem>> -> memref<5120xf32, #tpu.memory_space<vmem>>
        %dma_wait3A_72 = arith.constant 0 : i32
        %dma_wait3A_73 = tpu.memref_slice %arg3[%run_scoped3A_27, %dma_wait3A_72] : memref<16x5120xf32, #tpu.memory_space<hbm>> -> memref<1x5120xf32, #tpu.memory_space<hbm>>
        %dma_wait3A_74 = tpu.memref_squeeze %dma_wait3A_73 : memref<1x5120xf32, #tpu.memory_space<hbm>> -> memref<5120xf32, #tpu.memory_space<hbm>>
        %dma_wait3A_75 = arith.constant 0 : i32
        %dma_wait3A_76 = tpu.memref_slice %arg6[%run_scoped3A_28, %dma_wait3A_75] : memref<6x5120xf32, #tpu.memory_space<vmem>> -> memref<1x5120xf32, #tpu.memory_space<vmem>>
        %dma_wait3A_77 = tpu.memref_squeeze %dma_wait3A_76 : memref<1x5120xf32, #tpu.memory_space<vmem>> -> memref<5120xf32, #tpu.memory_space<vmem>>
        %dma_wait3A_78 = arith.constant 0 : i32
        %dma_wait3A_79 = tpu.memref_slice %arg3[%run_scoped3A_27, %dma_wait3A_78] : memref<16x5120xf32, #tpu.memory_space<hbm>> -> memref<1x5120xf32, #tpu.memory_space<hbm>>
        %dma_wait3A_80 = tpu.memref_squeeze %dma_wait3A_79 : memref<1x5120xf32, #tpu.memory_space<hbm>> -> memref<5120xf32, #tpu.memory_space<hbm>>
        tpu.wait_dma2 semaphore(%run_scoped3A_58 : memref<!tpu.dma_semaphore, #tpu.memory_space<semaphore_mem>>) src(%dma_wait3A_80 : memref<5120xf32, #tpu.memory_space<hbm>>) dst(%dma_wait3A_77 : memref<5120xf32, #tpu.memory_space<vmem>>)
        tpu.yield
      }) : () -> ()
      %run_scoped3A_29 = arith.constant 7 : i32
      %run_scoped3A_30 = arith.constant 3 : i32
      "tpu.region"() ({
        %run_scoped3A_58 = tpu.sem_alloc : memref<!tpu.dma_semaphore, #tpu.memory_space<semaphore_mem>>
        %dma_start3A = arith.constant 0 : i32
        %dma_start3A_59 = tpu.memref_slice %arg6[%run_scoped3A_30, %dma_start3A] : memref<6x5120xf32, #tpu.memory_space<vmem>> -> memref<1x5120xf32, #tpu.memory_space<vmem>>
        %dma_start3A_60 = tpu.memref_squeeze %dma_start3A_59 : memref<1x5120xf32, #tpu.memory_space<vmem>> -> memref<5120xf32, #tpu.memory_space<vmem>>
        %dma_start3A_61 = arith.constant 0 : i32
        %dma_start3A_62 = tpu.memref_slice %arg3[%run_scoped3A_29, %dma_start3A_61] : memref<16x5120xf32, #tpu.memory_space<hbm>> -> memref<1x5120xf32, #tpu.memory_space<hbm>>
        %dma_start3A_63 = tpu.memref_squeeze %dma_start3A_62 : memref<1x5120xf32, #tpu.memory_space<hbm>> -> memref<5120xf32, #tpu.memory_space<hbm>>
        %dma_start3A_64 = arith.constant 0 : i32
        %dma_start3A_65 = tpu.memref_slice %arg6[%run_scoped3A_30, %dma_start3A_64] : memref<6x5120xf32, #tpu.memory_space<vmem>> -> memref<1x5120xf32, #tpu.memory_space<vmem>>
        %dma_start3A_66 = tpu.memref_squeeze %dma_start3A_65 : memref<1x5120xf32, #tpu.memory_space<vmem>> -> memref<5120xf32, #tpu.memory_space<vmem>>
        %dma_start3A_67 = arith.constant 0 : i32
        %dma_start3A_68 = tpu.memref_slice %arg3[%run_scoped3A_29, %dma_start3A_67] : memref<16x5120xf32, #tpu.memory_space<hbm>> -> memref<1x5120xf32, #tpu.memory_space<hbm>>
        %dma_start3A_69 = tpu.memref_squeeze %dma_start3A_68 : memref<1x5120xf32, #tpu.memory_space<hbm>> -> memref<5120xf32, #tpu.memory_space<hbm>>
        tpu.enqueue_dma source(%dma_start3A_69 : memref<5120xf32, #tpu.memory_space<hbm>>) target(%dma_start3A_66 : memref<5120xf32, #tpu.memory_space<vmem>>) target_semaphore(%run_scoped3A_58 : memref<!tpu.dma_semaphore, #tpu.memory_space<semaphore_mem>>)
        %dma_wait3A = arith.constant 0 : i32
        %dma_wait3A_70 = tpu.memref_slice %arg6[%run_scoped3A_30, %dma_wait3A] : memref<6x5120xf32, #tpu.memory_space<vmem>> -> memref<1x5120xf32, #tpu.memory_space<vmem>>
        %dma_wait3A_71 = tpu.memref_squeeze %dma_wait3A_70 : memref<1x5120xf32, #tpu.memory_space<vmem>> -> memref<5120xf32, #tpu.memory_space<vmem>>
        %dma_wait3A_72 = arith.constant 0 : i32
        %dma_wait3A_73 = tpu.memref_slice %arg3[%run_scoped3A_29, %dma_wait3A_72] : memref<16x5120xf32, #tpu.memory_space<hbm>> -> memref<1x5120xf32, #tpu.memory_space<hbm>>
        %dma_wait3A_74 = tpu.memref_squeeze %dma_wait3A_73 : memref<1x5120xf32, #tpu.memory_space<hbm>> -> memref<5120xf32, #tpu.memory_space<hbm>>
        %dma_wait3A_75 = arith.constant 0 : i32
        %dma_wait3A_76 = tpu.memref_slice %arg6[%run_scoped3A_30, %dma_wait3A_75] : memref<6x5120xf32, #tpu.memory_space<vmem>> -> memref<1x5120xf32, #tpu.memory_space<vmem>>
        %dma_wait3A_77 = tpu.memref_squeeze %dma_wait3A_76 : memref<1x5120xf32, #tpu.memory_space<vmem>> -> memref<5120xf32, #tpu.memory_space<vmem>>
        %dma_wait3A_78 = arith.constant 0 : i32
        %dma_wait3A_79 = tpu.memref_slice %arg3[%run_scoped3A_29, %dma_wait3A_78] : memref<16x5120xf32, #tpu.memory_space<hbm>> -> memref<1x5120xf32, #tpu.memory_space<hbm>>
        %dma_wait3A_80 = tpu.memref_squeeze %dma_wait3A_79 : memref<1x5120xf32, #tpu.memory_space<hbm>> -> memref<5120xf32, #tpu.memory_space<hbm>>
        tpu.wait_dma2 semaphore(%run_scoped3A_58 : memref<!tpu.dma_semaphore, #tpu.memory_space<semaphore_mem>>) src(%dma_wait3A_80 : memref<5120xf32, #tpu.memory_space<hbm>>) dst(%dma_wait3A_77 : memref<5120xf32, #tpu.memory_space<vmem>>)
        tpu.yield
      }) : () -> ()
      %scan3A_31 = arith.constant 0 : i32
      %scan3A_32 = arith.constant 0 : i32
      %scan3A_33 = arith.constant 81 : i32
      %scan3A_34 = arith.addi %scan3A_32, %scan3A_33 : i32
      %scan3A_35 = arith.constant 1 : i32
      scf.for %scan3A_58 = %scan3A_32 to %scan3A_34 step %scan3A_35  : i32 {
        %mul3A = arith.constant 16 : i32
        %mul3A_59 = arith.muli %scan3A_58, %mul3A : i32
        %swap3A = arith.index_cast %mul3A_59 : i32 to index
        %swap3A_60 = tpu.vector_load %arg8[%swap3A] {strides = array<i32>} : memref<1296xf32, #tpu.memory_space<vmem>>, vector<16xf32>,
        tpu.vector_store %arg8[%swap3A], %broadcast_in_dim3A_15 {strides = array<i32>} : memref<1296xf32, #tpu.memory_space<vmem>>, vector<16xf32>,
        %mul3A_61 = arith.constant 16 : i32
        %mul3A_62 = arith.muli %scan3A_58, %mul3A_61 : i32
        %swap3A_63 = arith.index_cast %mul3A_62 : i32 to index
        %swap3A_64 = tpu.vector_load %arg9[%swap3A_63] {strides = array<i32>} : memref<1296xf32, #tpu.memory_space<vmem>>, vector<16xf32>,
        tpu.vector_store %arg9[%swap3A_63], %broadcast_in_dim3A_15 {strides = array<i32>} : memref<1296xf32, #tpu.memory_space<vmem>>, vector<16xf32>,
        %mul3A_65 = arith.constant 16 : i32
        %mul3A_66 = arith.muli %scan3A_58, %mul3A_65 : i32
        %swap3A_67 = arith.index_cast %mul3A_66 : i32 to index
        %swap3A_68 = tpu.vector_load %arg10[%swap3A_67] {strides = array<i32>} : memref<1296xf32, #tpu.memory_space<vmem>>, vector<16xf32>,
        tpu.vector_store %arg10[%swap3A_67], %broadcast_in_dim3A_15 {strides = array<i32>} : memref<1296xf32, #tpu.memory_space<vmem>>, vector<16xf32>,
        %mul3A_69 = arith.constant 16 : i32
        %mul3A_70 = arith.muli %scan3A_58, %mul3A_69 : i32
        %swap3A_71 = arith.index_cast %mul3A_70 : i32 to index
        %swap3A_72 = tpu.vector_load %arg11[%swap3A_71] {strides = array<i32>} : memref<1296xf32, #tpu.memory_space<vmem>>, vector<16xf32>,
        tpu.vector_store %arg11[%swap3A_71], %broadcast_in_dim3A_15 {strides = array<i32>} : memref<1296xf32, #tpu.memory_space<vmem>>, vector<16xf32>,
        %mul3A_73 = arith.constant 16 : i32
        %mul3A_74 = arith.muli %scan3A_58, %mul3A_73 : i32
        %swap3A_75 = arith.index_cast %mul3A_74 : i32 to index
        %swap3A_76 = tpu.vector_load %arg12[%swap3A_75] {strides = array<i32>} : memref<1296xf32, #tpu.memory_space<vmem>>, vector<16xf32>,
        tpu.vector_store %arg12[%swap3A_75], %broadcast_in_dim3A_15 {strides = array<i32>} : memref<1296xf32, #tpu.memory_space<vmem>>, vector<16xf32>,
      }
      %scan3A_36 = arith.constant 81 : i32
      %scan3A_37 = arith.constant 0 : i32
      %scan3A_38 = arith.constant 0 : i32
      %scan3A_39 = arith.constant 83 : i32
      %scan3A_40 = arith.addi %scan3A_38, %scan3A_39 : i32
      %scan3A_41 = arith.constant 1 : i32
      scf.for %scan3A_58 = %scan3A_38 to %scan3A_40 step %scan3A_41  : i32 {
        %mul3A = arith.constant 16 : i32
        %mul3A_59 = arith.muli %scan3A_58, %mul3A : i32
        %swap3A = arith.index_cast %mul3A_59 : i32 to index
        %swap3A_60 = tpu.vector_load %arg13[%swap3A] {strides = array<i32>} : memref<1328xi32, #tpu.memory_space<vmem>>, vector<16xi32>,
        tpu.vector_store %arg13[%swap3A], %broadcast_in_dim3A_17 {strides = array<i32>} : memref<1328xi32, #tpu.memory_space<vmem>>, vector<16xi32>,
      }
      %scan3A_42 = arith.constant 83 : i32
      %scan3A_43 = arith.constant 0 : i32
      %scan3A_44 = arith.constant 0 : i32
      %scan3A_45 = arith.constant 32 : i32
      %scan3A_46 = arith.addi %scan3A_44, %scan3A_45 : i32
      %scan3A_47 = arith.constant 1 : i32
      scf.for %scan3A_58 = %scan3A_44 to %scan3A_46 step %scan3A_47  : i32 {
        %mul3A = arith.constant 16 : i32
        %mul3A_59 = arith.muli %scan3A_58, %mul3A : i32
        %swap3A = arith.index_cast %mul3A_59 : i32 to index
        %swap3A_60 = tpu.vector_load %arg14[%swap3A] {strides = array<i32>} : memref<512xf32, #tpu.memory_space<vmem>>, vector<16xf32>,
        tpu.vector_store %arg14[%swap3A], %broadcast_in_dim3A_15 {strides = array<i32>} : memref<512xf32, #tpu.memory_space<vmem>>, vector<16xf32>,
      }
      %scan3A_48 = arith.constant 32 : i32
      %lt3A = arith.constant 4 : i32
      %lt3A_49 = vector.broadcast %lt3A : i32 to vector<16xi32>
      %lt3A_50 = arith.cmpi slt, %iota3A, %lt3A_49 : vector<16xi32>
      %jit3A = arith.constant 0 : i32
      %broadcast_in_dim3A_51 = vector.broadcast %jit3A : i32 to vector<16xi32>
      %select_n3A = arith.select %lt3A_50, %iota3A, %broadcast_in_dim3A_51 : vector<16xi1>, vector<16xi32>
      %scan3A_52 = arith.constant 0 : i32
      %scan3A_53 = arith.constant 0 : i32
      %scan3A_54 = arith.constant 320 : i32
      %scan3A_55 = arith.addi %scan3A_53, %scan3A_54 : i32
      %scan3A_56 = arith.constant 1 : i32
      scf.for %scan3A_58 = %scan3A_53 to %scan3A_55 step %scan3A_56  : i32 {
        %get3A = arith.constant 1312 : index
        %get3A_59 = tpu.vector_load %arg13[%get3A] {strides = array<i32>} : memref<1328xi32, #tpu.memory_space<vmem>>, vector<16xi32>,
        %slice3A = vector.extract_strided_slice %get3A_59 {offsets = [0], sizes = [1], strides = [1]} : vector<16xi32> to vector<1xi32>
        %squeeze3A = vector.extract %slice3A[0] : i32 from vector<1xi32>
        %eq3A_60 = arith.constant 0 : i32
        %eq3A_61 = arith.cmpi eq, %squeeze3A, %eq3A_60 : i32
        %convert_element_type3A_62 = arith.extui %eq3A_61 : i1 to i32
        %cond3A_63 = arith.constant 0 : i32
        %cond3A_64 = arith.cmpi ne, %convert_element_type3A_62, %cond3A_63 : i32
        scf.if %cond3A_64 {
          %mul3A = arith.constant 16 : i32
          %mul3A_65 = arith.muli %scan3A_58, %mul3A : i32
          %get3A_66 = arith.constant 0 : i32
          %get3A_67 = arith.index_cast %get3A_66 : i32 to index
          %get3A_68 = arith.index_cast %mul3A_65 : i32 to index
          %get3A_69 = tpu.vector_load %arg7[%get3A_67, %get3A_68] {strides = array<i32>} : memref<6x5120xf32, #tpu.memory_space<vmem>>, vector<16xf32>,
          %get3A_70 = arith.constant 1 : i32
          %get3A_71 = arith.index_cast %get3A_70 : i32 to index
          %get3A_72 = arith.index_cast %mul3A_65 : i32 to index
          %get3A_73 = tpu.vector_load %arg7[%get3A_71, %get3A_72] {strides = array<i32>} : memref<6x5120xf32, #tpu.memory_space<vmem>>, vector<16xf32>,
          %get3A_74 = arith.constant 2 : i32
          %get3A_75 = arith.index_cast %get3A_74 : i32 to index
          %get3A_76 = arith.index_cast %mul3A_65 : i32 to index
          %get3A_77 = tpu.vector_load %arg7[%get3A_75, %get3A_76] {strides = array<i32>} : memref<6x5120xf32, #tpu.memory_space<vmem>>, vector<16xf32>,
          %get3A_78 = arith.constant 3 : i32
          %get3A_79 = arith.index_cast %get3A_78 : i32 to index
          %get3A_80 = arith.index_cast %mul3A_65 : i32 to index
          %get3A_81 = tpu.vector_load %arg7[%get3A_79, %get3A_80] {strides = array<i32>} : memref<6x5120xf32, #tpu.memory_space<vmem>>, vector<16xf32>,
          %get3A_82 = arith.constant 4 : i32
          %get3A_83 = arith.index_cast %get3A_82 : i32 to index
          %get3A_84 = arith.index_cast %mul3A_65 : i32 to index
          %get3A_85 = tpu.vector_load %arg7[%get3A_83, %get3A_84] {strides = array<i32>} : memref<6x5120xf32, #tpu.memory_space<vmem>>, vector<16xf32>,
          %get3A_86 = arith.constant 5 : i32
          %get3A_87 = arith.index_cast %get3A_86 : i32 to index
          %get3A_88 = arith.index_cast %mul3A_65 : i32 to index
          %get3A_89 = tpu.vector_load %arg7[%get3A_87, %get3A_88] {strides = array<i32>} : memref<6x5120xf32, #tpu.memory_space<vmem>>, vector<16xf32>,
          %get3A_90 = arith.index_cast %mul3A_65 : i32 to index
          %get3A_91 = tpu.vector_load %arg5[%get3A_90] {strides = array<i32>} : memref<5120xi32, #tpu.memory_space<vmem>>, vector<16xi32>,
          %ge3A = arith.constant 0 : i32
          %ge3A_92 = vector.broadcast %ge3A : i32 to vector<16xi32>
          %ge3A_93 = arith.cmpi sge, %iota3A, %ge3A_92 : vector<16xi32>
          %scan3A_94 = arith.constant 0 : i32
          %scan3A_95 = arith.constant 0 : i32
          %scan3A_96 = arith.constant 16 : i32
          %scan3A_97 = arith.addi %scan3A_95, %scan3A_96 : i32
          %scan3A_98 = arith.constant 1 : i32
          %scan3A_99 = scf.for %scan3A_107 = %scan3A_95 to %scan3A_97 step %scan3A_98 iter_args(%scan3A_108 = %scan3A_94) -> (i32)  : i32 {
            %add3A = vector.broadcast %scan3A_107 : i32 to vector<16xi32>
            %add3A_109 = arith.addi %broadcast_in_dim3A_17, %add3A : vector<16xi32>
            %broadcast_in_dim3A_110 = vector.shape_cast %add3A_109 : vector<16xi32> to vector<16x1xi32>
            %gather3A = vector.shape_cast %broadcast_in_dim3A_110 : vector<16x1xi32> to vector<16xi32>
            %gather3A_111 = tpu.dynamic_gather %get3A_85[%gather3A] in [0] : vector<16xf32>, vector<16xi32> -> vector<16xf32>
            %slice3A_112 = vector.extract_strided_slice %gather3A_111 {offsets = [0], sizes = [1], strides = [1]} : vector<16xf32> to vector<1xf32>
            %squeeze3A_113 = vector.extract %slice3A_112[0] : f32 from vector<1xf32>
            %broadcast_in_dim3A_114 = vector.shape_cast %add3A_109 : vector<16xi32> to vector<16x1xi32>
            %gather3A_115 = vector.shape_cast %broadcast_in_dim3A_114 : vector<16x1xi32> to vector<16xi32>
            %gather3A_116 = tpu.dynamic_gather %get3A_89[%gather3A_115] in [0] : vector<16xf32>, vector<16xi32> -> vector<16xf32>
            %slice3A_117 = vector.extract_strided_slice %gather3A_116 {offsets = [0], sizes = [1], strides = [1]} : vector<16xf32> to vector<1xf32>
            %squeeze3A_118 = vector.extract %slice3A_117[0] : f32 from vector<1xf32>
            %convert_element_type3A_119 = arith.fptosi %squeeze3A_118 : f32 to i32
            %ge3A_120 = arith.constant 2.000000e-01 : f32
            %ge3A_121 = arith.cmpf oge, %squeeze3A_113, %ge3A_120 : f32
            %mul3A_122 = arith.constant 16 : i32
            %mul3A_123 = arith.muli %convert_element_type3A_119, %mul3A_122 : i32
            %add3A_124 = vector.broadcast %mul3A_123 : i32 to vector<16xi32>
            %add3A_125 = arith.addi %add3A_124, %iota3A : vector<16xi32>
            %gather3A_126 = tpu.vector_load_idx %arg13[%add3A_125] : memref<1328xi32, #tpu.memory_space<vmem>>[vector<16xi32>], vector<16xi32>,
            %slice3A_127 = vector.extract_strided_slice %gather3A_126 {offsets = [0], sizes = [1], strides = [1]} : vector<16xi32> to vector<1xi32>
            %squeeze3A_128 = vector.extract %slice3A_127[0] : i32 from vector<1xi32>
            %get3A_129 = arith.constant 1296 : index
            %get3A_130 = tpu.vector_load %arg13[%get3A_129] {strides = array<i32>} : memref<1328xi32, #tpu.memory_space<vmem>>, vector<16xi32>,
            %slice3A_131 = vector.extract_strided_slice %get3A_130 {offsets = [0], sizes = [1], strides = [1]} : vector<16xi32> to vector<1xi32>
            %squeeze3A_132 = vector.extract %slice3A_131[0] : i32 from vector<1xi32>
            %eq3A_133 = arith.constant 0 : i32
            %eq3A_134 = arith.cmpi eq, %convert_element_type3A_119, %eq3A_133 : i32
            %lt3A_135 = arith.constant 15 : i32
            %lt3A_136 = arith.cmpi slt, %squeeze3A_128, %lt3A_135 : i32
            %lt3A_137 = arith.constant 15 : i32
            %lt3A_138 = arith.cmpi slt, %squeeze3A_132, %lt3A_137 : i32
            %or3A = arith.ori %eq3A_134, %lt3A_138 : i1
            %and3A_139 = arith.andi %lt3A_136, %or3A : i1
            %eq3A_140 = arith.constant 0 : i32
            %eq3A_141 = arith.cmpi eq, %scan3A_108, %eq3A_140 : i32
            %and3A_142 = arith.andi %eq3A_141, %ge3A_121 : i1
            %and3A_143 = arith.andi %and3A_142, %and3A_139 : i1
            %broadcast_in_dim3A_144 = vector.shape_cast %add3A_109 : vector<16xi32> to vector<16x1xi32>
            %gather3A_145 = vector.shape_cast %broadcast_in_dim3A_144 : vector<16x1xi32> to vector<16xi32>
            %gather3A_146 = tpu.dynamic_gather %get3A_69[%gather3A_145] in [0] : vector<16xf32>, vector<16xi32> -> vector<16xf32>
            %slice3A_147 = vector.extract_strided_slice %gather3A_146 {offsets = [0], sizes = [1], strides = [1]} : vector<16xf32> to vector<1xf32>
            %squeeze3A_148 = vector.extract %slice3A_147[0] : f32 from vector<1xf32>
            %broadcast_in_dim3A_149 = vector.shape_cast %add3A_109 : vector<16xi32> to vector<16x1xi32>
            %gather3A_150 = vector.shape_cast %broadcast_in_dim3A_149 : vector<16x1xi32> to vector<16xi32>
            %gather3A_151 = tpu.dynamic_gather %get3A_73[%gather3A_150] in [0] : vector<16xf32>, vector<16xi32> -> vector<16xf32>
            %slice3A_152 = vector.extract_strided_slice %gather3A_151 {offsets = [0], sizes = [1], strides = [1]} : vector<16xf32> to vector<1xf32>
            %squeeze3A_153 = vector.extract %slice3A_152[0] : f32 from vector<1xf32>
            %broadcast_in_dim3A_154 = vector.shape_cast %add3A_109 : vector<16xi32> to vector<16x1xi32>
            %gather3A_155 = vector.shape_cast %broadcast_in_dim3A_154 : vector<16x1xi32> to vector<16xi32>
            %gather3A_156 = tpu.dynamic_gather %get3A_77[%gather3A_155] in [0] : vector<16xf32>, vector<16xi32> -> vector<16xf32>
            %slice3A_157 = vector.extract_strided_slice %gather3A_156 {offsets = [0], sizes = [1], strides = [1]} : vector<16xf32> to vector<1xf32>
            %squeeze3A_158 = vector.extract %slice3A_157[0] : f32 from vector<1xf32>
            %broadcast_in_dim3A_159 = vector.shape_cast %add3A_109 : vector<16xi32> to vector<16x1xi32>
            %gather3A_160 = vector.shape_cast %broadcast_in_dim3A_159 : vector<16x1xi32> to vector<16xi32>
            %gather3A_161 = tpu.dynamic_gather %get3A_81[%gather3A_160] in [0] : vector<16xf32>, vector<16xi32> -> vector<16xf32>
            %slice3A_162 = vector.extract_strided_slice %gather3A_161 {offsets = [0], sizes = [1], strides = [1]} : vector<16xf32> to vector<1xf32>
            %squeeze3A_163 = vector.extract %slice3A_162[0] : f32 from vector<1xf32>
            %sub3A = arith.subf %squeeze3A_158, %squeeze3A_148 : f32
            %sub3A_164 = arith.subf %squeeze3A_163, %squeeze3A_153 : f32
            %mul3A_165 = arith.mulf %sub3A, %sub3A_164 : f32
            %gather3A_166 = tpu.vector_load_idx %arg8[%add3A_125] : memref<1296xf32, #tpu.memory_space<vmem>>[vector<16xi32>], vector<16xf32>,
            %gather3A_167 = tpu.vector_load_idx %arg9[%add3A_125] : memref<1296xf32, #tpu.memory_space<vmem>>[vector<16xi32>], vector<16xf32>,
            %gather3A_168 = tpu.vector_load_idx %arg10[%add3A_125] : memref<1296xf32, #tpu.memory_space<vmem>>[vector<16xi32>], vector<16xf32>,
            %gather3A_169 = tpu.vector_load_idx %arg11[%add3A_125] : memref<1296xf32, #tpu.memory_space<vmem>>[vector<16xi32>], vector<16xf32>,
            %gather3A_170 = tpu.vector_load_idx %arg12[%add3A_125] : memref<1296xf32, #tpu.memory_space<vmem>>[vector<16xi32>], vector<16xf32>,
            %max3A = vector.broadcast %squeeze3A_148 : f32 to vector<16xf32>
            %max3A_171 = arith.maximumf %gather3A_166, %max3A : vector<16xf32>
            %max3A_172 = vector.broadcast %squeeze3A_153 : f32 to vector<16xf32>
            %max3A_173 = arith.maximumf %gather3A_167, %max3A_172 : vector<16xf32>
            %min3A = vector.broadcast %squeeze3A_158 : f32 to vector<16xf32>
            %min3A_174 = arith.minimumf %gather3A_168, %min3A : vector<16xf32>
            %min3A_175 = vector.broadcast %squeeze3A_163 : f32 to vector<16xf32>
            %min3A_176 = arith.minimumf %gather3A_169, %min3A_175 : vector<16xf32>
            %sub3A_177 = arith.subf %min3A_174, %max3A_171 : vector<16xf32>
            %max3A_178 = arith.constant 0.000000e+00 : f32
            %max3A_179 = vector.broadcast %max3A_178 : f32 to vector<16xf32>
            %max3A_180 = arith.maximumf %sub3A_177, %max3A_179 : vector<16xf32>
            %sub3A_181 = arith.subf %min3A_176, %max3A_173 : vector<16xf32>
            %max3A_182 = arith.constant 0.000000e+00 : f32
            %max3A_183 = vector.broadcast %max3A_182 : f32 to vector<16xf32>
            %max3A_184 = arith.maximumf %sub3A_181, %max3A_183 : vector<16xf32>
            %mul3A_185 = arith.mulf %max3A_180, %max3A_184 : vector<16xf32>
            %add3A_186 = vector.broadcast %mul3A_165 : f32 to vector<16xf32>
            %add3A_187 = arith.addf %gather3A_170, %add3A_186 : vector<16xf32>
            %sub3A_188 = arith.subf %add3A_187, %mul3A_185 : vector<16xf32>
            %max3A_189 = arith.constant 9.99999971E-10 : f32
            %max3A_190 = vector.broadcast %max3A_189 : f32 to vector<16xf32>
            %max3A_191 = arith.maximumf %sub3A_188, %max3A_190 : vector<16xf32>
            %div3A = arith.divf %mul3A_185, %max3A_191 : vector<16xf32>
            %gt3A = arith.constant 5.000000e-01 : f32
            %gt3A_192 = vector.broadcast %gt3A : f32 to vector<16xf32>
            %gt3A_193 = arith.cmpf ogt, %div3A, %gt3A_192 : vector<16xf32>
            %lt3A_194 = vector.broadcast %squeeze3A_128 : i32 to vector<16xi32>
            %lt3A_195 = arith.cmpi slt, %iota3A, %lt3A_194 : vector<16xi32>
            %and3A_196 = arith.andi %gt3A_193, %lt3A_195 : vector<16xi1>
            %all_reduce_population_count3A = tpu.all_reduce %and3A_196 {dim = 0 : i64, kind = #tpu.reduction_kind<sum>} : vector<16xi1> -> vector<16xi32>
            %slice3A_197 = vector.extract_strided_slice %all_reduce_population_count3A {offsets = [0], sizes = [1], strides = [1]} : vector<16xi32> to vector<1xi32>
            %squeeze3A_198 = vector.extract %slice3A_197[0] : i32 from vector<1xi32>
            %gt3A_199 = arith.constant 0 : i32
            %gt3A_200 = arith.cmpi sgt, %squeeze3A_198, %gt3A_199 : i32
            %not3A = arith.constant true
            %not3A_201 = arith.xori %gt3A_200, %not3A : i1
            %and3A_202 = arith.andi %and3A_143, %not3A_201 : i1
            %and3A_203 = vector.broadcast %and3A_202 : i1 to vector<16xi1>
            %and3A_204 = arith.andi %ge3A_93, %and3A_203 : vector<16xi1>
            %eq3A_205 = vector.broadcast %squeeze3A_128 : i32 to vector<16xi32>
            %eq3A_206 = arith.cmpi eq, %iota3A, %eq3A_205 : vector<16xi32>
            %and3A_207 = arith.andi %eq3A_206, %and3A_204 : vector<16xi1>
            %add3A_208 = vector.broadcast %squeeze3A_148 : f32 to vector<16xf32>
            %add3A_209 = arith.addf %broadcast_in_dim3A_15, %add3A_208 : vector<16xf32>
            tpu.vector_store_idx %arg8[%add3A_125], %add3A_209 masked %and3A_207 : memref<1296xf32, #tpu.memory_space<vmem>>[vector<16xi32>], vector<16xf32>, vector<16xi1>
            %add3A_210 = vector.broadcast %squeeze3A_153 : f32 to vector<16xf32>
            %add3A_211 = arith.addf %broadcast_in_dim3A_15, %add3A_210 : vector<16xf32>
            tpu.vector_store_idx %arg9[%add3A_125], %add3A_211 masked %and3A_207 : memref<1296xf32, #tpu.memory_space<vmem>>[vector<16xi32>], vector<16xf32>, vector<16xi1>
            %add3A_212 = vector.broadcast %squeeze3A_158 : f32 to vector<16xf32>
            %add3A_213 = arith.addf %broadcast_in_dim3A_15, %add3A_212 : vector<16xf32>
            tpu.vector_store_idx %arg10[%add3A_125], %add3A_213 masked %and3A_207 : memref<1296xf32, #tpu.memory_space<vmem>>[vector<16xi32>], vector<16xf32>, vector<16xi1>
            %add3A_214 = vector.broadcast %squeeze3A_163 : f32 to vector<16xf32>
            %add3A_215 = arith.addf %broadcast_in_dim3A_15, %add3A_214 : vector<16xf32>
            tpu.vector_store_idx %arg11[%add3A_125], %add3A_215 masked %and3A_207 : memref<1296xf32, #tpu.memory_space<vmem>>[vector<16xi32>], vector<16xf32>, vector<16xi1>
            %add3A_216 = vector.broadcast %mul3A_165 : f32 to vector<16xf32>
            %add3A_217 = arith.addf %broadcast_in_dim3A_15, %add3A_216 : vector<16xf32>
            tpu.vector_store_idx %arg12[%add3A_125], %add3A_217 masked %and3A_207 : memref<1296xf32, #tpu.memory_space<vmem>>[vector<16xi32>], vector<16xf32>, vector<16xi1>
            %eq3A_218 = arith.constant 0 : i32
            %eq3A_219 = vector.broadcast %eq3A_218 : i32 to vector<16xi32>
            %eq3A_220 = arith.cmpi eq, %iota3A, %eq3A_219 : vector<16xi32>
            %and3A_221 = arith.andi %eq3A_220, %and3A_204 : vector<16xi1>
            %add3A_222 = vector.broadcast %squeeze3A_128 : i32 to vector<16xi32>
            %add3A_223 = arith.addi %broadcast_in_dim3A_17, %add3A_222 : vector<16xi32>
            %add3A_224 = arith.constant 1 : i32
            %add3A_225 = vector.broadcast %add3A_224 : i32 to vector<16xi32>
            %add3A_226 = arith.addi %add3A_223, %add3A_225 : vector<16xi32>
            tpu.vector_store_idx %arg13[%add3A_125], %add3A_226 masked %and3A_221 : memref<1328xi32, #tpu.memory_space<vmem>>[vector<16xi32>], vector<16xi32>, vector<16xi1>
            %add3A_227 = arith.constant 15 : i32
            %add3A_228 = arith.addi %add3A_227, %squeeze3A_132 : i32
            %select_n3A_229 = arith.select %eq3A_134, %squeeze3A_128, %add3A_228 : i32
            %broadcast_in_dim3A_230 = vector.shape_cast %add3A_109 : vector<16xi32> to vector<16x1xi32>
            %gather3A_231 = vector.shape_cast %broadcast_in_dim3A_230 : vector<16x1xi32> to vector<16xi32>
            %gather3A_232 = tpu.dynamic_gather %get3A_91[%gather3A_231] in [0] : vector<16xi32>, vector<16xi32> -> vector<16xi32>
            %slice3A_233 = vector.extract_strided_slice %gather3A_232 {offsets = [0], sizes = [1], strides = [1]} : vector<16xi32> to vector<1xi32>
            %squeeze3A_234 = vector.extract %slice3A_233[0] : i32 from vector<1xi32>
            %add3A_235 = vector.broadcast %squeeze3A_234 : i32 to vector<16xi32>
            %add3A_236 = arith.addi %broadcast_in_dim3A_17, %add3A_235 : vector<16xi32>
            %gather3A_237 = tpu.vector_load_idx %arg6[%select_n3A, %add3A_236] : memref<6x5120xf32, #tpu.memory_space<vmem>>[vector<16xi32>, vector<16xi32>], vector<16xf32>,
            %eq3A_238 = arith.constant 0 : i32
            %eq3A_239 = vector.broadcast %eq3A_238 : i32 to vector<16xi32>
            %eq3A_240 = arith.cmpi eq, %iota3A, %eq3A_239 : vector<16xi32>
            %slice3A_241 = vector.extract_strided_slice %gather3A_237 {offsets = [0], sizes = [1], strides = [1]} : vector<16xf32> to vector<1xf32>
            %squeeze3A_242 = vector.extract %slice3A_241[0] : f32 from vector<1xf32>
            %eq3A_243 = arith.constant 1 : i32
            %eq3A_244 = vector.broadcast %eq3A_243 : i32 to vector<16xi32>
            %eq3A_245 = arith.cmpi eq, %iota3A, %eq3A_244 : vector<16xi32>
            %slice3A_246 = vector.extract_strided_slice %gather3A_237 {offsets = [1], sizes = [1], strides = [1]} : vector<16xf32> to vector<1xf32>
            %squeeze3A_247 = vector.extract %slice3A_246[0] : f32 from vector<1xf32>
            %eq3A_248 = arith.constant 2 : i32
            %eq3A_249 = vector.broadcast %eq3A_248 : i32 to vector<16xi32>
            %eq3A_250 = arith.cmpi eq, %iota3A, %eq3A_249 : vector<16xi32>
            %slice3A_251 = vector.extract_strided_slice %gather3A_237 {offsets = [2], sizes = [1], strides = [1]} : vector<16xf32> to vector<1xf32>
            %squeeze3A_252 = vector.extract %slice3A_251[0] : f32 from vector<1xf32>
            %eq3A_253 = arith.constant 3 : i32
            %eq3A_254 = vector.broadcast %eq3A_253 : i32 to vector<16xi32>
            %eq3A_255 = arith.cmpi eq, %iota3A, %eq3A_254 : vector<16xi32>
            %slice3A_256 = vector.extract_strided_slice %gather3A_237 {offsets = [3], sizes = [1], strides = [1]} : vector<16xf32> to vector<1xf32>
            %squeeze3A_257 = vector.extract %slice3A_256[0] : f32 from vector<1xf32>
            %eq3A_258 = arith.constant 4 : i32
            %eq3A_259 = vector.broadcast %eq3A_258 : i32 to vector<16xi32>
            %eq3A_260 = arith.cmpi eq, %iota3A, %eq3A_259 : vector<16xi32>
            %jit3A_261 = arith.constant 0.000000e+00 : f32
            %broadcast_in_dim3A_262 = vector.broadcast %squeeze3A_113 : f32 to vector<16xf32>
            %broadcast_in_dim3A_263 = vector.broadcast %jit3A_261 : f32 to vector<16xf32>
            %select_n3A_264 = arith.select %eq3A_260, %broadcast_in_dim3A_262, %broadcast_in_dim3A_263 : vector<16xi1>, vector<16xf32>
            %broadcast_in_dim3A_265 = vector.broadcast %squeeze3A_257 : f32 to vector<16xf32>
            %select_n3A_266 = arith.select %eq3A_255, %broadcast_in_dim3A_265, %select_n3A_264 : vector<16xi1>, vector<16xf32>
            %broadcast_in_dim3A_267 = vector.broadcast %squeeze3A_252 : f32 to vector<16xf32>
            %select_n3A_268 = arith.select %eq3A_250, %broadcast_in_dim3A_267, %select_n3A_266 : vector<16xi1>, vector<16xf32>
            %broadcast_in_dim3A_269 = vector.broadcast %squeeze3A_247 : f32 to vector<16xf32>
            %select_n3A_270 = arith.select %eq3A_245, %broadcast_in_dim3A_269, %select_n3A_268 : vector<16xi1>, vector<16xf32>
            %broadcast_in_dim3A_271 = vector.broadcast %squeeze3A_242 : f32 to vector<16xf32>
            %select_n3A_272 = arith.select %eq3A_240, %broadcast_in_dim3A_271, %select_n3A_270 : vector<16xi1>, vector<16xf32>
            %mul3A_273 = arith.constant 16 : i32
            %mul3A_274 = arith.muli %select_n3A_229, %mul3A_273 : i32
            %add3A_275 = vector.broadcast %mul3A_274 : i32 to vector<16xi32>
            %add3A_276 = arith.addi %add3A_275, %iota3A : vector<16xi32>
            tpu.vector_store_idx %arg14[%add3A_276], %select_n3A_272 masked %and3A_204 : memref<512xf32, #tpu.memory_space<vmem>>[vector<16xi32>], vector<16xf32>, vector<16xi1>
            %add3A_277 = arith.constant 1296 : i32
            %add3A_278 = vector.broadcast %add3A_277 : i32 to vector<16xi32>
            %add3A_279 = arith.addi %add3A_278, %iota3A : vector<16xi32>
            %add3A_280 = vector.broadcast %squeeze3A_132 : i32 to vector<16xi32>
            %add3A_281 = arith.addi %broadcast_in_dim3A_17, %add3A_280 : vector<16xi32>
            %add3A_282 = arith.constant 1 : i32
            %add3A_283 = vector.broadcast %add3A_282 : i32 to vector<16xi32>
            %add3A_284 = arith.addi %add3A_281, %add3A_283 : vector<16xi32>
            %not3A_285 = arith.constant true
            %not3A_286 = arith.xori %eq3A_134, %not3A_285 : i1
            %and3A_287 = vector.broadcast %not3A_286 : i1 to vector<16xi1>
            %and3A_288 = arith.andi %and3A_221, %and3A_287 : vector<16xi1>
            tpu.vector_store_idx %arg13[%add3A_279], %add3A_284 masked %and3A_288 : memref<1328xi32, #tpu.memory_space<vmem>>[vector<16xi32>], vector<16xi32>, vector<16xi1>
            %get3A_289 = arith.constant 0 : index
            %get3A_290 = tpu.vector_load %arg13[%get3A_289] {strides = array<i32>} : memref<1328xi32, #tpu.memory_space<vmem>>, vector<16xi32>,
            %slice3A_291 = vector.extract_strided_slice %get3A_290 {offsets = [0], sizes = [1], strides = [1]} : vector<16xi32> to vector<1xi32>
            %squeeze3A_292 = vector.extract %slice3A_291[0] : i32 from vector<1xi32>
            %get3A_293 = arith.constant 1296 : index
            %get3A_294 = tpu.vector_load %arg13[%get3A_293] {strides = array<i32>} : memref<1328xi32, #tpu.memory_space<vmem>>, vector<16xi32>,
            %slice3A_295 = vector.extract_strided_slice %get3A_294 {offsets = [0], sizes = [1], strides = [1]} : vector<16xi32> to vector<1xi32>
            %squeeze3A_296 = vector.extract %slice3A_295[0] : i32 from vector<1xi32>
            %not3A_297 = arith.constant true
            %not3A_298 = arith.xori %ge3A_121, %not3A_297 : i1
            %ge3A_299 = arith.constant 15 : i32
            %ge3A_300 = arith.cmpi sge, %squeeze3A_292, %ge3A_299 : i32
            %ge3A_301 = arith.constant 15 : i32
            %ge3A_302 = arith.cmpi sge, %squeeze3A_296, %ge3A_301 : i32
            %and3A_303 = arith.andi %ge3A_300, %ge3A_302 : i1
            %or3A_304 = arith.ori %not3A_298, %and3A_303 : i1
            %jit3A_305 = arith.constant 1 : i32
            %select_n3A_306 = arith.select %or3A_304, %jit3A_305, %scan3A_108 : i32
            scf.yield %select_n3A_306 : i32
          }
          %scan3A_100 = arith.constant 16 : i32
          %eq3A_101 = arith.constant 0 : i32
          %eq3A_102 = vector.broadcast %eq3A_101 : i32 to vector<16xi32>
          %eq3A_103 = arith.cmpi eq, %iota3A, %eq3A_102 : vector<16xi32>
          %broadcast_in_dim3A_104 = vector.broadcast %scan3A_99 : i32 to vector<16xi32>
          %select_n3A_105 = arith.select %eq3A_103, %broadcast_in_dim3A_104, %broadcast_in_dim3A_17 : vector<16xi1>, vector<16xi32>
          %swap3A = arith.constant 1312 : index
          %swap3A_106 = tpu.vector_load %arg13[%swap3A] {strides = array<i32>} : memref<1328xi32, #tpu.memory_space<vmem>>, vector<16xi32>,
          tpu.vector_store %arg13[%swap3A], %select_n3A_105 {strides = array<i32>} : memref<1328xi32, #tpu.memory_space<vmem>>, vector<16xi32>,
        } else {
        }
      }
      %scan3A_57 = arith.constant 320 : i32
      "tpu.region"() ({
        %run_scoped3A_58 = tpu.sem_alloc : memref<!tpu.dma_semaphore, #tpu.memory_space<semaphore_mem>>
        tpu.enqueue_dma source(%arg14 : memref<512xf32, #tpu.memory_space<vmem>>) target(%arg4 : memref<512xf32, #tpu.memory_space<hbm>>) target_semaphore(%run_scoped3A_58 : memref<!tpu.dma_semaphore, #tpu.memory_space<semaphore_mem>>)
        tpu.wait_dma2 semaphore(%run_scoped3A_58 : memref<!tpu.dma_semaphore, #tpu.memory_space<semaphore_mem>>) src(%arg14 : memref<512xf32, #tpu.memory_space<vmem>>) dst(%arg4 : memref<512xf32, #tpu.memory_space<hbm>>)
        tpu.yield
      }) : () -> ()
    } else {
    }
    return
  }
}

module attributes {stable_mosaic.version = 14 : i64} {
  func.func @_rank_kernel(%arg0: memref<5120x1xf32, #tpu.memory_space<vmem>>, %arg1: memref<40x128xf32, #tpu.memory_space<vmem>>, %arg2: memref<8x5120xf32, #tpu.memory_space<vmem>>, %arg3: memref<8x5120xf32, #tpu.memory_space<vmem>>, %arg4: memref<1x5120xf32, #tpu.memory_space<vmem>>, %arg5: memref<40x128xi32, #tpu.memory_space<vmem>>, %arg6: memref<16x5120xf32, #tpu.memory_space<vmem>>) attributes {dimension_semantics = [], scalar_prefetch = 0 : i64, scratch_operands = 0 : i64, tpu.core_type = #tpu.core_type<tc>} {
    %get3A = arith.constant 0 : index
    %get3A_0 = arith.constant 0 : index
    %get3A_1 = vector.load %arg0[%get3A, %get3A_0] : memref<5120x1xf32, #tpu.memory_space<vmem>>, vector<5120x1xf32>
    %ge3A = arith.constant 2.000000e-01 : f32
    %ge3A_2 = vector.broadcast %ge3A : f32 to vector<5120x1xf32>
    %ge3A_3 = arith.cmpf oge, %get3A_1, %ge3A_2 : vector<5120x1xf32>
    %jit3A = arith.constant -1.000000e+00 : f32
    %broadcast_in_dim3A = vector.broadcast %jit3A : f32 to vector<5120x1xf32>
    %select_n3A = arith.select %ge3A_3, %get3A_1, %broadcast_in_dim3A : vector<5120x1xi1>, vector<5120x1xf32>
    %iota3A = tpu.iota {dimensions = array<i32: 0>} : vector<5120x1xi32>
    %broadcast_in_dim3A_4 = arith.constant 0 : i32
    %broadcast_in_dim3A_5 = vector.broadcast %broadcast_in_dim3A_4 : i32 to vector<5120x1xi32>
    %scan3A = arith.constant 0 : i32
    %scan3A_6 = arith.constant 40 : i32
    %scan3A_7 = arith.addi %scan3A, %scan3A_6 : i32
    %scan3A_8 = arith.constant 1 : i32
    %scan3A_9 = scf.for %scan3A_39 = %scan3A to %scan3A_7 step %scan3A_8 iter_args(%scan3A_40 = %broadcast_in_dim3A_5) -> (vector<5120x1xi32>)  : i32 {
      %get3A_41 = arith.index_cast %scan3A_39 : i32 to index
      %get3A_42 = arith.constant 0 : index
      %get3A_43 = vector.load %arg1[%get3A_41, %get3A_42] : memref<40x128xf32, #tpu.memory_space<vmem>>, vector<1x128xf32>
      %ge3A_44 = arith.constant 2.000000e-01 : f32
      %ge3A_45 = vector.broadcast %ge3A_44 : f32 to vector<1x128xf32>
      %ge3A_46 = arith.cmpf oge, %get3A_43, %ge3A_45 : vector<1x128xf32>
      %jit3A_47 = arith.constant -1.000000e+00 : f32
      %broadcast_in_dim3A_48 = vector.broadcast %jit3A_47 : f32 to vector<1x128xf32>
      %select_n3A_49 = arith.select %ge3A_46, %get3A_43, %broadcast_in_dim3A_48 : vector<1x128xi1>, vector<1x128xf32>
      %mul3A_50 = arith.constant 128 : i32
      %mul3A_51 = arith.muli %scan3A_39, %mul3A_50 : i32
      %iota3A_52 = tpu.iota {dimensions = array<i32: 1>} : vector<1x128xi32>
      %add3A_53 = vector.broadcast %mul3A_51 : i32 to vector<1x128xi32>
      %add3A_54 = arith.addi %add3A_53, %iota3A_52 : vector<1x128xi32>
      %gt3A = vector.broadcast %select_n3A_49 : vector<1x128xf32> to vector<5120x128xf32>
      %gt3A_55 = vector.broadcast %select_n3A : vector<5120x1xf32> to vector<5120x128xf32>
      %gt3A_56 = arith.cmpf ogt, %gt3A, %gt3A_55 : vector<5120x128xf32>
      %eq3A = vector.broadcast %select_n3A_49 : vector<1x128xf32> to vector<5120x128xf32>
      %eq3A_57 = vector.broadcast %select_n3A : vector<5120x1xf32> to vector<5120x128xf32>
      %eq3A_58 = arith.cmpf oeq, %eq3A, %eq3A_57 : vector<5120x128xf32>
      %lt3A = vector.broadcast %add3A_54 : vector<1x128xi32> to vector<5120x128xi32>
      %lt3A_59 = vector.broadcast %iota3A : vector<5120x1xi32> to vector<5120x128xi32>
      %lt3A_60 = arith.cmpi slt, %lt3A, %lt3A_59 : vector<5120x128xi32>
      %and3A = arith.andi %eq3A_58, %lt3A_60 : vector<5120x128xi1>
      %or3A = arith.ori %gt3A_56, %and3A : vector<5120x128xi1>
      %convert_element_type3A = arith.extui %or3A : vector<5120x128xi1> to vector<5120x128xi32>
      %reduce_sum3A = arith.constant dense<0> : vector<5120xi32>
      %reduce_sum3A_61 = vector.multi_reduction <add>, %convert_element_type3A, %reduce_sum3A [1] : vector<5120x128xi32> to vector<5120xi32>
      %broadcast_in_dim3A_62 = vector.shape_cast %reduce_sum3A_61 : vector<5120xi32> to vector<5120x1xi32>
      %add3A_63 = arith.addi %scan3A_40, %broadcast_in_dim3A_62 : vector<5120x1xi32>
      scf.yield %add3A_63 : vector<5120x1xi32>
    }
    %scan3A_10 = arith.constant 40 : i32
    %scan3A_11 = arith.constant 0 : i32
    %scan3A_12 = arith.constant 40 : i32
    %scan3A_13 = arith.addi %scan3A_11, %scan3A_12 : i32
    %scan3A_14 = arith.constant 1 : i32
    scf.for %scan3A_39 = %scan3A_11 to %scan3A_13 step %scan3A_14  : i32 {
      %mul3A_40 = arith.constant 128 : i32
      %mul3A_41 = arith.muli %scan3A_39, %mul3A_40 : i32
      %iota3A_42 = tpu.iota {dimensions = array<i32: 1>} : vector<1x128xi32>
      %add3A_43 = vector.broadcast %mul3A_41 : i32 to vector<1x128xi32>
      %add3A_44 = arith.addi %add3A_43, %iota3A_42 : vector<1x128xi32>
      %eq3A = vector.broadcast %scan3A_9 : vector<5120x1xi32> to vector<5120x128xi32>
      %eq3A_45 = vector.broadcast %add3A_44 : vector<1x128xi32> to vector<5120x128xi32>
      %eq3A_46 = arith.cmpi eq, %eq3A, %eq3A_45 : vector<5120x128xi32>
      %jit3A_47 = arith.constant 0 : i32
      %broadcast_in_dim3A_48 = vector.shape_cast %iota3A : vector<5120x1xi32> to vector<5120x1xi32>
      %broadcast_in_dim3A_49 = vector.broadcast %broadcast_in_dim3A_48 : vector<5120x1xi32> to vector<5120x128xi32>
      %broadcast_in_dim3A_50 = vector.broadcast %jit3A_47 : i32 to vector<5120x128xi32>
      %select_n3A_51 = arith.select %eq3A_46, %broadcast_in_dim3A_49, %broadcast_in_dim3A_50 : vector<5120x128xi1>, vector<5120x128xi32>
      %reduce_sum3A = arith.constant dense<0> : vector<128xi32>
      %reduce_sum3A_52 = vector.multi_reduction <add>, %select_n3A_51, %reduce_sum3A [0] : vector<5120x128xi32> to vector<128xi32>
      %broadcast_in_dim3A_53 = vector.shape_cast %reduce_sum3A_52 : vector<128xi32> to vector<1x128xi32>
      %swap3A_54 = arith.index_cast %scan3A_39 : i32 to index
      %swap3A_55 = arith.constant 0 : index
      %swap3A_56 = vector.load %arg5[%swap3A_54, %swap3A_55] : memref<40x128xi32, #tpu.memory_space<vmem>>, vector<1x128xi32>
      tpu.vector_store %arg5[%swap3A_54, %swap3A_55], %broadcast_in_dim3A_53 {strides = array<i32>} : memref<40x128xi32, #tpu.memory_space<vmem>>, vector<1x128xi32>,
    }
    %scan3A_15 = arith.constant 40 : i32
    %get3A_16 = arith.constant 0 : index
    %get3A_17 = arith.constant 0 : index
    %get3A_18 = vector.load %arg2[%get3A_16, %get3A_17] : memref<8x5120xf32, #tpu.memory_space<vmem>>, vector<8x5120xf32>
    %slice3A = vector.extract_strided_slice %get3A_18 {offsets = [0, 0], sizes = [4, 5120], strides = [1, 1]} : vector<8x5120xf32> to vector<4x5120xf32>
    %reduce_max3A = vector.shape_cast %get3A_18 : vector<8x5120xf32> to vector<1x8x5120xf32>
    %reduce_max3A_19 = arith.constant dense<0xFF800000> : vector<1xf32>
    %reduce_max3A_20 = vector.multi_reduction <maximumf>, %reduce_max3A, %reduce_max3A_19 [1, 2] : vector<1x8x5120xf32> to vector<1xf32>
    %reduce_max3A_21 = vector.shape_cast %reduce_max3A_20 : vector<1xf32> to vector<1x1x1xf32>
    %reduce_max3A_22 = vector.extract %reduce_max3A_21[0, 0, 0] : f32 from vector<1x1x1xf32>
    %get3A_23 = arith.constant 0 : index
    %get3A_24 = arith.constant 0 : index
    %get3A_25 = vector.load %arg3[%get3A_23, %get3A_24] : memref<8x5120xf32, #tpu.memory_space<vmem>>, vector<4x5120xf32>
    %add3A = arith.constant 1.000000e+00 : f32
    %add3A_26 = arith.addf %reduce_max3A_22, %add3A : f32
    %mul3A = vector.broadcast %add3A_26 : f32 to vector<4x5120xf32>
    %mul3A_27 = arith.mulf %get3A_25, %mul3A : vector<4x5120xf32>
    %add3A_28 = arith.addf %slice3A, %mul3A_27 : vector<4x5120xf32>
    %get3A_29 = arith.constant 0 : index
    %get3A_30 = arith.constant 0 : index
    %get3A_31 = vector.load %arg4[%get3A_29, %get3A_30] : memref<1x5120xf32, #tpu.memory_space<vmem>>, vector<1x5120xf32>
    %get3A_32 = arith.constant 0 : index
    %get3A_33 = arith.constant 0 : index
    %get3A_34 = vector.load %arg3[%get3A_32, %get3A_33] : memref<8x5120xf32, #tpu.memory_space<vmem>>, vector<1x5120xf32>
    %broadcast_in_dim3A_35 = arith.constant 0.000000e+00 : f32
    %broadcast_in_dim3A_36 = vector.broadcast %broadcast_in_dim3A_35 : f32 to vector<6x5120xf32>
    %concatenate3A = tpu.concatenate %add3A_28, %slice3A, %get3A_31, %get3A_34, %broadcast_in_dim3A_36 in 0 : vector<4x5120xf32>, vector<4x5120xf32>, vector<1x5120xf32>, vector<1x5120xf32>, vector<6x5120xf32> -> vector<16x5120xf32>
    %swap3A = arith.constant 0 : index
    %swap3A_37 = arith.constant 0 : index
    %swap3A_38 = vector.load %arg6[%swap3A, %swap3A_37] : memref<16x5120xf32, #tpu.memory_space<vmem>>, vector<16x5120xf32>
    tpu.vector_store %arg6[%swap3A, %swap3A_37], %concatenate3A {strides = array<i32>} : memref<16x5120xf32, #tpu.memory_space<vmem>>, vector<16x5120xf32>,
    return
  }
}

</mosaic_0001>

<sc_bundles>
// kernel: kernel.4.cloned.1.call-start
scs
__scs_entry_jumppad:
0x0: {  	(pc) =	sbr.rel $0x88, $3  }
0x1: {  	(tag) =	ssettag $0x0;
	lr =	simm.s32 $0x1  }
0x2: {  	[smem:$0x3F9E] =	sst lr;
	_ =	strace $0xD0000000  }
0x3: {  	_ = 	snop  }
0x4: {  	_ = 	snop  }
0x5: {  	_ = 	snop  }
0x6: {  	_ = 	snop  }
0x7: {  	_ = 	snop  }
__scs_overlays_trampoline_lowered:
0x8: {  	[smem:$0x3FAD] =	sst s0  }
0x9: {  	[smem:$0x3FAE] =	sst s1  }
0xa: {  	[smem:$0x3FAF] =	sst s2  }
0xb: {  	[smem:$0x3FB0] =	sst s3  }
0xc: {  	[smem:$0x3FB1] =	sst s4  }
0xd: {  	[smem:$0x3FB2] =	sst s5  }
0xe: {  	[smem:$0x3FB3] =	sst s6  }
0xf: {  	[smem:$0x3FB4] =	sst s7  }
0x10: {  	[smem:$0x3FB5] =	sst s8  }
0x11: {  	[smem:$0x3FB6] =	sst s9;
	s0 =	simm.s32 @!p0 $0x0  }
0x12: {  	s1 =	sld [smem:$0x3F9C];
	s0 =	simm.s32 @p0 $0x1  }
0x13: {  	[smem:$0x3FB7] =	sst s0;
	s0 =	simm.s32 @!p1 $0x0  }
0x14: {  	s2 =	sld [smem:$0x3F9B];
	s0 =	simm.s32 @p1 $0x1  }
0x15: {  	[smem:$0x3FB8] =	sst s0;
	s0 =	simm.s32 @!p2 $0x0  }
0x16: {  	s3 =	sld [smem:$0x3FDB];
	s0 =	simm.s32 @p2 $0x1  }
0x17: {  	s4 =	simm.s32 $0x1BF5;
	[smem:$0x3FBA] =	sst s0  }
0x18: {  	s0 =	sld [smem:$0x3F9D];
	_ =	swait.ge [sflag:s4], $0x0  }
0x19: {  	s7 =	sld [smem:$0x3F9E]  }
0x1a: {  	s8 =	sadd.s32 $0xFFFFE003, lr  }
0x1b: {  	s9 =	sadd.s32 $0xFFFFFEF7, lr;
	s5 =	simm.s32 $0xFFFFFFFF;
	p2 =	slt.u32 s8, $0xFFFFF086  }
0x1c: {  	p1 =	slt.u32 s9, $0xF7A;
	s5 =	simm.s32 @!p2 $0x0  }
0x1d: {  	s5 =	simm.s32 @p1 $0x1;
	p0 =	seq.s32 s7, s2  }
0x1e: {  	s7 =	smul.u32 @!p0 $0xF7A, s2;
	p2 =	seq.s32 @!p0 s5, $0x0  }
0x1f: {  	s9 =	smul.u32 $0xF7A, s1;
	s8 =	simm.s32 @!p0 $0x1BF5;
	p2 =	por !p2, p0  }
0x20: {  	[sflag:s8] =	ssyncset.s32 @!p0 $0xFFFFF086;
	s6 =	sadd.s32 @!p0 s3, s7;
	s7 =	simm.s32 @!p0 $0x108  }
0x21: {  	s3 =	sadd.s32 s3, s9;
	s6 =	sadd.s32 @!p0 $0x88, s6;
	s7 =	simm.s32 @p2 $0x1082  }
0x22: {  	[simem:s7], [sflag:s8] =	dma.local @!p0 [hbm:s6], $0xF7A  }
0x23: {  	s9 =	sor.u32 $0xD0000000, s2;
	s6 =	simm.s32 $0x108;
	_ =	swait.ge @!p0 [sflag:s8], $0x0  }
0x24: {  	s3 =	sadd.s32 $0x88, s3;
	s6 =	simm.s32 @!p1 $0x1082;
	[sflag:s4] =	ssyncset.s32 $0xFFFFF086  }
0x25: {  	[simem:s6], [sflag:s4] =	dma.local [hbm:s3], $0xF7A  }
0x26: {  	[smem:$0x3F9E] =	sst s1;
	(tag) =	ssettag s2;
	_ =	strace s9  }
0x27: {  	s1 =	sld [smem:$0x3FAE]  }
0x28: {  	s2 =	sld [smem:$0x3FAF]  }
0x29: {  	s4 =	sld [smem:$0x3FB1]  }
0x2a: {  	p0 =	seq.s32 s5, $0x0;
	s5 =	sld [smem:$0x3FB2]  }
0x2b: {  	s6 =	sld [smem:$0x3FB3]  }
0x2c: {  	s7 =	sld [smem:$0x3FB4]  }
0x2d: {  	s3 =	simm.s32 $0x108;
	s8 =	sld [smem:$0x3FB5]  }
0x2e: {  	s3 =	simm.s32 @!p0 $0x1082;
	s9 =	sld [smem:$0x3FB6]  }
0x2f: {  	lr =	sadd.s32 s0, s3;
	s0 =	sld [smem:$0x3FAD]  }
0x30: {  	s3 =	sld [smem:$0x3FB0]  }
0x31: {  	[smem:$0x3FB9] =	sst s10  }
0x32: {  	s10 =	sld [smem:$0x3FB7];
	_ =	sdelay $0x3  }
0x33: {  	p0 =	seq.s32 s10, $0x1;
	s10 =	sld [smem:$0x3FB9];
	_ =	sdelay $0x3  }
0x34: {  	[smem:$0x3FB9] =	sst s10  }
0x35: {  	s10 =	sld [smem:$0x3FB8];
	_ =	sdelay $0x3  }
0x36: {  	p1 =	seq.s32 s10, $0x1;
	s10 =	sld [smem:$0x3FB9];
	_ =	sdelay $0x3  }
0x37: {  	[smem:$0x3FB9] =	sst s10  }
0x38: {  	s10 =	sld [smem:$0x3FBA]  }
0x39: {  	_ = 	snop;
	(pc) =	sbr.ind lr, $3  }
0x3a: {  	_ = 	snop  }
0x3b: {  	_ = 	snop  }
0x3c: {  	p2 =	seq.s32 s10, $0x1;
	s10 =	sld [smem:$0x3FB9]  }
0x3d: {  	_ =	shalt  }
0x3e: {  	_ =	shalt  }
0x3f: {  	_ =	shalt  }
0x40: {  	_ =	shalt  }
0x41: {  	_ =	shalt  }
0x42: {  	_ =	shalt  }
0x43: {  	_ =	shalt  }
0x44: {  	_ =	shalt  }
0x45: {  	_ =	shalt  }
0x46: {  	_ =	shalt  }
0x47: {  	_ =	shalt  }
0x48: {  	_ =	shalt  }
0x49: {  	_ =	shalt  }
0x4a: {  	_ =	shalt  }
0x4b: {  	_ =	shalt  }
0x4c: {  	_ =	shalt  }
0x4d: {  	_ =	shalt  }
0x4e: {  	_ =	shalt  }
0x4f: {  	_ =	shalt  }
0x50: {  	_ =	shalt  }
0x51: {  	_ =	shalt  }
0x52: {  	_ =	shalt  }
0x53: {  	_ =	shalt  }
0x54: {  	_ =	shalt  }
0x55: {  	_ =	shalt  }
0x56: {  	_ =	shalt  }
0x57: {  	_ =	shalt  }
0x58: {  	_ =	shalt  }
0x59: {  	_ =	shalt  }
0x5a: {  	_ =	shalt  }
0x5b: {  	_ =	shalt  }
0x5c: {  	_ =	shalt  }
0x5d: {  	_ =	shalt  }
0x5e: {  	_ =	shalt  }
0x5f: {  	_ =	shalt  }
0x60: {  	_ =	shalt  }
0x61: {  	_ =	shalt  }
0x62: {  	_ =	shalt  }
0x63: {  	_ =	shalt  }
0x64: {  	_ =	shalt  }
0x65: {  	_ =	shalt  }
0x66: {  	_ =	shalt  }
0x67: {  	_ =	shalt  }
0x68: {  	_ =	shalt  }
0x69: {  	_ =	shalt  }
0x6a: {  	_ =	shalt  }
0x6b: {  	_ =	shalt  }
0x6c: {  	_ =	shalt  }
0x6d: {  	_ =	shalt  }
0x6e: {  	_ =	shalt  }
0x6f: {  	_ =	shalt  }
0x70: {  	_ =	shalt  }
0x71: {  	_ =	shalt  }
0x72: {  	_ =	shalt  }
0x73: {  	_ =	shalt  }
0x74: {  	_ =	shalt  }
0x75: {  	_ =	shalt  }
0x76: {  	_ =	shalt  }
0x77: {  	_ =	shalt  }
0x78: {  	_ =	shalt  }
0x79: {  	_ =	shalt  }
0x7a: {  	_ =	shalt  }
0x7b: {  	_ =	shalt  }
0x7c: {  	_ =	shalt  }
0x7d: {  	_ =	shalt  }
0x7e: {  	_ =	shalt  }
0x7f: {  	_ =	shalt  }
0x80: {  	_ =	shalt  }
0x81: {  	_ =	shalt  }
0x82: {  	_ =	shalt  }
0x83: {  	_ =	shalt  }
0x84: {  	_ =	shalt  }
0x85: {  	_ =	shalt  }
0x86: {  	_ =	shalt  }
0x87: {  	_ =	shalt  }
.Lfunc_end0:
.L_simem_size_0:
called_computation_lowered:
.L_overlay_start_0:
0x88: {  	s2 =	sld [smem:$0x3FD9]  }
0x89: {  	s3 =	sld [smem:$0x3FFE];
	_ =	sdelay $0x1  }
0x8a: {  	s1 =	srdreg.scid  }
0x8b: {  	s0 =	sand.u32 $0x1, s1  }
0x8c: {  	s17 =	sshll.u32 s0, $0xA;
	s2 =	sadd.s32 s3, s2  }
0x8d: {  	s2 =	sadd.s32 s2, s17  }
0x8e: {  	[smem:$0x3FC5] =	sst s2  }
0x8f: {  	_ = 	snop  }
0x90: {  	s2 =	sld [smem:$0x3FD0];
	(tm) =	ssettm $0x1  }
0x91: {  	s18 =	sld [smem:$0x3FFB];
	_ =	sdelay $0x3  }
0x92: {  	_ =	strace s18  }
0x93: {  	s3 =	sld [smem:$0x3FFC];
	_ =	sdelay $0x3  }
0x94: {  	_ =	strace s3  }
0x95: {  	s3 =	sld [smem:$0x3FFD];
	_ =	sdelay $0x3  }
0x96: {  	_ =	strace s3  }
0x97: {  	_ =	strace $0x8FFFFFFF  }
0x98: {  	s19 =	sld [smem:$0x3FDB];
	_ =	sdelay $0x1  }
0x99: {  	s4 =	simm.s32 $_scs_section_size  }
0x9a: {  	s5 =	simm.s32 $_size__tile_overlayer_lowered;
	s6 =	simm.s32 $_tile_overlayer_lowered  }
0x9b: {  	s22 =	simm.s32 $0x1BFF;
	s21 =	sshll.u32 s6, $0x1;
	s3 =	sadd.s32 s4, s19  }
0x9c: {  	s7 =	simm.s32 $0x0;
	s20 =	sshll.u32 s5, $0x1;
	s5 =	sadd.s32 s21, s3  }
0x9d: {  	[timem:s7], [sflag:s22] =	dma.local [hbm:s5], s20  }
0x9e: {  	_ =	swait.ge [sflag:s22], s20  }
0x9f: {  	s4 =	ssub.s32 $0x0, s20;
	[sflag:s22] =	ssyncset.done $0x0  }
0xa0: {  	[sflag:s22] =	ssyncadd.s32 s4;
	_ =	sdelay $0x1  }
0xa1: {  	s23 =	simm.s32 $0x1B8B  }
0xa2: {  	_ =	swait.ge [sflag:s23], $0x1  }
0xa3: {  	[sflag:s23] =	ssyncset.done $0x0  }
0xa4: {  	s25 =	simm.s32 $0x1B8E;
	s24 =	sld [smem:$0x3FFE];
	[sflag:s23] =	ssyncadd.s32 $0xFFFFFFFF  }
0xa5: {  	s26 =	simm.s32 $execute0_lowered;
	[smem:$0x3FD2] =	sst s25  }
0xa6: {  	s5 =	sshll.u32 s26, $0x1;
	_ =	strace $0x80000046;
	[dreg:$0x1] =	wrdreg $0xFFFFFFFF  }
0xa7: {  	s28 =	simm.s32 $_size_execute0_lowered;
	s3 =	sadd.s32 s3, s5;
	[dreg:$0x0] =	wrdreg $0x0  }
0xa8: {  	s5 =	sshll.u32 s28, $0x1;
	[dreg:$0x2] =	wrdreg s3  }
0xa9: {  	[dreg:$0x3] =	wrdreg s5  }
0xaa: {  	[dreg:$0x4] =	wrdreg $0xC0  }
0xab: {  	_ =	task [dreg:s7], $0x5FFFF  }
0xac: {  	[dreg:$0x1] =	wrdreg $0xFFFFFFFF  }
0xad: {  	[dreg:$0x0] =	wrdreg $0x60  }
0xae: {  	[dreg:$0x2] =	wrdreg s24  }
0xaf: {  	[dreg:$0x3] =	wrdreg s2  }
0xb0: {  	[dreg:$0x4] =	wrdreg $0x9  }
0xb1: {  	_ =	task.clear_ibuf [dreg:s7], $0x5FFFF;
	_ =	strace $0x90000046  }
0xb2: {  	s29 =	simm.s32 $0x9;
	_ =	strace $0x80000048  }
0xb3: {  	_ =	swait.ge [sflag:s29], $0x1  }
0xb4: {  	[sflag:s29] =	ssyncadd.s32 $0xFFFFFFFF  }
0xb5: {  	_ =	strace $0x90000048  }
0xb6: {  	_ =	sfence  }
0xb7: {  	s30 =	sld [smem:$0x0];
	_ =	sdelay $0x2  }
0xb8: {  	s31 =	sshll.u32 s1, $0xD;
	s1 =	sshrl.u32 s1, $0x2  }
0xb9: {  	s3 =	sand.u32 $0x4000, s31;
	s1 =	sadd.s32 s1, s30  }
0xba: {  	s0 =	sor.u32 s3, s0;
	s1 =	sshll.u32 s1, $0x11  }
0xbb: {  	s0 =	sor.u32 s1, s0  }
0xbc: {  	s0 =	sadd.s32 $0x8F2B, s0  }
0xbd: {  	[sflag:s0] =	ssyncadd.remote.s32 $0x1  }
0xbe: {  	_ =	sfence.sel $0xFFFF  }
0xbf: {  	[dreg:$0x0] =	wrdreg $0xFFFFFFFF;
	(pc) =	sbr.abs _section_cstart, $3  }
0xc0: {  	[dreg:$0x1] =	wrdreg $0xFFFFFFFF  }
0xc1: {  	_ =	task.clear_ibuf [dreg:s7], $0x2FFFF;
	_ =	strace $0x9FFFFFFF  }
0xc2: {  	(tm) =	ssettm $0x7FFFFFFF  }
0xc3: {  	_ =	shalt  }
tec
execute0_lowered:
.L_overlay_start_1:
0x0: {  	(tag) =	ssettag $0x1  }
0x1: {  	s1 =	srdreg.scid  }
0x2: {  	s2 =	stileid.u32;
	s1 =	sand.u32 $0x1, s1  }
0x3: {  	s2 =	sor.u32 s2, s1  }
0x4: {  	p0 =	sne.s32 s2, $0x0  }
.Ltmp0:
0x5: {  	_ = 	snop;
	(pc) =	sbr.rel @!p0 .LBB2_1-.Ltmp0, $4  }
0x6: {  	_ = 	snop  }
0x7: {  	s3 =	simm.s32 $0x0  }
0x8: {  	[smem:$0x7FF] =	sst s3  }
0x9: {  	s0 =	rddreg [dreg:$0x0];
	_ =	strace $0x80000047  }
.LBB2_35:
0xa: {  	_ =	sfence.sel $0x180000  }
0xb: {  	[bflag:$0x0] =	sbarrier.arrive $0xFFFF  }
0xc: {  	_ =	strace $0x90000047  }
0xd: {  	s0 =	stileid.u32;
	[bflag:$0x2] =	sbarrier.arrive $0xFFFF  }
0xe: {  	p0 =	sne.s32 s0, $0x0;
	s0 =	rddreg [dreg:$0x2]  }
0xf: {  	s0 =	sadd.s32 @!p0 $0x100000, s0  }
0x10: {  	[sflag:s0] =	ssyncadd.tile.s32 @!p0 $0x1;
	_ =	shalt  }
.LBB2_1:
0x11: {  	s1 =	ssub.s32 $0x2, s1;
	s2 =	sadd.s32 $0x3400, s0  }
0x12: {  	s5 =	sadd.s32 $0xC00, s0;
	s7 =	sadd.s32 $0xC10, s0;
	s8 =	sadd.s32 $0xC20, s0  }
0x13: {  	s9 =	sadd.s32 $0xC30, s0;
	s10 =	sadd.s32 $0x2000, s0;
	s11 =	sadd.s32 $0x2010, s0  }
0x14: {  	s12 =	sadd.s32 $0xC40, s0;
	s13 =	sadd.s32 $0xC50, s0;
	s14 =	sadd.s32 $0xC60, s0  }
.Ltmp1:
0x15: {  	v0 =	vimm.f32 $0.0e+00;
	v1 =	vimm.s32 $0x0;
	vm0 =	vcmask $0x704;
	s15 =	sadd.s32 $0xC70, s0;
	s16 =	simm.s32 $0x1;
	(pc) =	sbr.rel .LBB2_2-.Ltmp1, $4  }
0x16: {  	v2 =	vlaneseq.u32;
	vm1 =	vcmask $0xB08;
	s17 =	simm.s32 $0x1400;
	s18 =	simm.s32 $0x16F80;
	s19 =	simm.s32 $0x15400;
	vm2 =	vcmask $0xF0C  }
0x17: {  	s20 =	simm.s32 $0x15980;
	s21 =	simm.s32 $0x15F00;
	s22 =	simm.s32 $0x16480;
	vm3 =	vmmov $0xf;
	vm4 =	vcmask $0x300;
	v3 =	vsel vm0, $0x80, v1  }
0x18: {  	s23 =	simm.s32 $0x16A00;
	s24 =	simm.s32 $0x17500;
	s31 =	sshrl.u32 s1, $0x1;
	vm0 =	vmxor vm0, vm0;
	v4 =	vor.u32 $0x510, v2;
	v3 =	vsel vm1, $0x100, v3  }
0x19: {  	s25 =	simm.s32 $0x0;
	[dreg:$0x3] =	wrdreg s2;
	s6 =	ssub.s32 s1, s31;
	vm1 =	vmmov $0x1;
	v3 =	vsel vm2, $0x180, v3;
	vm2 =	vcmask $0x1310  }
.LBB2_34:
0x1a: {  	s25 =	sadd.s32 $0x1, s25  }
0x1b: {  	p0 =	sne.s32 s25, s6  }
.Ltmp2:
0x1c: {  	s0 =	rddreg [dreg:$0x1];
	(pc) =	sbr.rel @!p0 .LBB2_35-.Ltmp2, $4  }
0x1d: {  	[hbm4b:s0+s3] =	stream.linear.scatter [tilespmem:s24], [sflag:$0x1], $0x200, $0x38;
	[tilespmem:$0x17700] =	vst v63  }
0x1e: {  	_ =	swait.ge [sflag:s16], $0x200  }
0x1f: {  	[sflag:s16] =	ssyncset.done $0x0  }
0x20: {  	[sflag:s16] =	ssyncadd.s32 $0xFFFFFE00  }
.LBB2_2:
0x21: {  	s0 =	simm.s32 $0x0;
	s1 =	rddreg [dreg:$0x3]  }
0x22: {  	[tilespmem:s0], [sflag:$0x1] =	stream.linear.gather [hbm4b:s1+s0], $0x1400, $0x38;
	[tilespmem:$0x17700] =	vst v63  }
0x23: {  	_ =	swait.ge [sflag:s16], $0x1400  }
0x24: {  	s2 =	sadd.s32 $0x0, s5;
	s26 =	simm.s32 $0x1400;
	[sflag:s16] =	ssyncset.done $0x0  }
0x25: {  	s0 =	simm.s32 $0x80;
	s1 =	simm.s32 $0x1800;
	[sflag:s16] =	ssyncadd.s32 $0xFFFFEC00  }
.LBB2_3:
0x26: {  	[tilespmem:s26], [sflag:$0x1] =	stream.linear.gather [hbm4b:s2+s3], $0x80, $0x38;
	[tilespmem:$0x17700] =	vst v63  }
0x27: {  	s2 =	smov.u32 s0;
	s26 =	smov.u32 s1;
	p0 =	sne.s32 s0, $0x1380  }
.Ltmp3:
0x28: {  	s0 =	sadd.s32 $0x80, s0;
	(pc) =	sbr.rel @p0 .LBB2_3-.Ltmp3, $2  }
0x29: {  	_ =	sdelay $0x2  }
0x2a: {  	s1 =	sadd.s32 $0x400, s1;
	s2 =	sadd.s32 s2, s5  }
0x2b: {  	[tilespmem:s26], [sflag:$0x1] =	stream.linear.gather [hbm4b:s2+s3], $0x80, $0x38;
	[tilespmem:$0x17700] =	vst v63  }
0x2c: {  	_ =	swait.ge [sflag:s16], $0x1400  }
0x2d: {  	s0 =	simm.s32 $0x1480;
	s1 =	simm.s32 $0x80;
	[sflag:s16] =	ssyncset.done $0x0  }
0x2e: {  	s2 =	sadd.s32 $0x0, s7;
	s26 =	simm.s32 $0x1880;
	[sflag:s16] =	ssyncadd.s32 $0xFFFFEC00  }
.LBB2_5:
0x2f: {  	[tilespmem:s0], [sflag:$0x1] =	stream.linear.gather [hbm4b:s2+s3], $0x80, $0x38;
	[tilespmem:$0x17700] =	vst v63  }
0x30: {  	s2 =	smov.u32 s1;
	s0 =	smov.u32 s26;
	p0 =	sne.s32 s1, $0x1380  }
.Ltmp4:
0x31: {  	s1 =	sadd.s32 $0x80, s1;
	(pc) =	sbr.rel @p0 .LBB2_5-.Ltmp4, $2  }
0x32: {  	_ =	sdelay $0x2  }
0x33: {  	s26 =	sadd.s32 $0x400, s26;
	s2 =	sadd.s32 s2, s7  }
0x34: {  	[tilespmem:s0], [sflag:$0x1] =	stream.linear.gather [hbm4b:s2+s3], $0x80, $0x38;
	[tilespmem:$0x17700] =	vst v63  }
0x35: {  	_ =	swait.ge [sflag:s16], $0x1400  }
0x36: {  	s0 =	simm.s32 $0x1500;
	s1 =	simm.s32 $0x80;
	[sflag:s16] =	ssyncset.done $0x0  }
0x37: {  	s2 =	sadd.s32 $0x0, s8;
	s26 =	simm.s32 $0x1900;
	[sflag:s16] =	ssyncadd.s32 $0xFFFFEC00  }
.LBB2_7:
0x38: {  	[tilespmem:s0], [sflag:$0x1] =	stream.linear.gather [hbm4b:s2+s3], $0x80, $0x38;
	[tilespmem:$0x17700] =	vst v63  }
0x39: {  	s2 =	smov.u32 s1;
	s0 =	smov.u32 s26;
	p0 =	sne.s32 s1, $0x1380  }
.Ltmp5:
0x3a: {  	s1 =	sadd.s32 $0x80, s1;
	(pc) =	sbr.rel @p0 .LBB2_7-.Ltmp5, $2  }
0x3b: {  	_ =	sdelay $0x2  }
0x3c: {  	s26 =	sadd.s32 $0x400, s26;
	s2 =	sadd.s32 s2, s8  }
0x3d: {  	[tilespmem:s0], [sflag:$0x1] =	stream.linear.gather [hbm4b:s2+s3], $0x80, $0x38;
	[tilespmem:$0x17700] =	vst v63  }
0x3e: {  	_ =	swait.ge [sflag:s16], $0x1400  }
0x3f: {  	s0 =	simm.s32 $0x1580;
	s1 =	simm.s32 $0x80;
	[sflag:s16] =	ssyncset.done $0x0  }
0x40: {  	s2 =	sadd.s32 $0x0, s9;
	s26 =	simm.s32 $0x1980;
	[sflag:s16] =	ssyncadd.s32 $0xFFFFEC00  }
.LBB2_9:
0x41: {  	[tilespmem:s0], [sflag:$0x1] =	stream.linear.gather [hbm4b:s2+s3], $0x80, $0x38;
	[tilespmem:$0x17700] =	vst v63  }
0x42: {  	s2 =	smov.u32 s1;
	s0 =	smov.u32 s26;
	p0 =	sne.s32 s1, $0x1380  }
.Ltmp6:
0x43: {  	s1 =	sadd.s32 $0x80, s1;
	(pc) =	sbr.rel @p0 .LBB2_9-.Ltmp6, $2  }
0x44: {  	_ =	sdelay $0x2  }
0x45: {  	s26 =	sadd.s32 $0x400, s26;
	s2 =	sadd.s32 s2, s9  }
0x46: {  	[tilespmem:s0], [sflag:$0x1] =	stream.linear.gather [hbm4b:s2+s3], $0x80, $0x38;
	[tilespmem:$0x17700] =	vst v63  }
0x47: {  	_ =	swait.ge [sflag:s16], $0x1400  }
0x48: {  	s0 =	simm.s32 $0x1600;
	s1 =	simm.s32 $0x80;
	[sflag:s16] =	ssyncset.done $0x0  }
0x49: {  	s2 =	sadd.s32 $0x0, s10;
	s26 =	simm.s32 $0x1A00;
	[sflag:s16] =	ssyncadd.s32 $0xFFFFEC00  }
.LBB2_11:
0x4a: {  	[tilespmem:s0], [sflag:$0x1] =	stream.linear.gather [hbm4b:s2+s3], $0x80, $0x38;
	[tilespmem:$0x17700] =	vst v63  }
0x4b: {  	s2 =	smov.u32 s1;
	s0 =	smov.u32 s26;
	p0 =	sne.s32 s1, $0x1380  }
.Ltmp7:
0x4c: {  	s1 =	sadd.s32 $0x80, s1;
	(pc) =	sbr.rel @p0 .LBB2_11-.Ltmp7, $2  }
0x4d: {  	_ =	sdelay $0x2  }
0x4e: {  	s26 =	sadd.s32 $0x400, s26;
	s2 =	sadd.s32 s2, s10  }
0x4f: {  	[tilespmem:s0], [sflag:$0x1] =	stream.linear.gather [hbm4b:s2+s3], $0x80, $0x38;
	[tilespmem:$0x17700] =	vst v63  }
0x50: {  	_ =	swait.ge [sflag:s16], $0x1400  }
0x51: {  	s0 =	simm.s32 $0x1680;
	s1 =	simm.s32 $0x80;
	[sflag:s16] =	ssyncset.done $0x0  }
0x52: {  	s2 =	sadd.s32 $0x0, s11;
	s26 =	simm.s32 $0x1A80;
	[sflag:s16] =	ssyncadd.s32 $0xFFFFEC00  }
.LBB2_13:
0x53: {  	[tilespmem:s0], [sflag:$0x1] =	stream.linear.gather [hbm4b:s2+s3], $0x80, $0x38;
	[tilespmem:$0x17700] =	vst v63  }
0x54: {  	s2 =	smov.u32 s1;
	s0 =	smov.u32 s26;
	p0 =	sne.s32 s1, $0x1380  }
.Ltmp8:
0x55: {  	s1 =	sadd.s32 $0x80, s1;
	(pc) =	sbr.rel @p0 .LBB2_13-.Ltmp8, $2  }
0x56: {  	_ =	sdelay $0x2  }
0x57: {  	s26 =	sadd.s32 $0x400, s26;
	s2 =	sadd.s32 s2, s11  }
0x58: {  	[tilespmem:s0], [sflag:$0x1] =	stream.linear.gather [hbm4b:s2+s3], $0x80, $0x38;
	[tilespmem:$0x17700] =	vst v63  }
0x59: {  	_ =	swait.ge [sflag:s16], $0x1400  }
0x5a: {  	[sflag:s16] =	ssyncset.done $0x0  }
0x5b: {  	s26 =	simm.s32 $0x0;
	[sflag:s16] =	ssyncadd.s32 $0xFFFFEC00  }
0x5c: {  	v5 =	vld [tilespmem:s26+$0x0];
	_ =	sdelay $0x4  }
0x5d: {  	v6 =	vshll.u32 v5, $0x3  }
0x5e: {  	v5 =	vand.u32 $0x7F, v5;
	v6 =	vand.u32 $0xFFFFFC00, v6  }
0x5f: {  	v5 =	vor.u32 v5, v6;
	_ =	sdelay $0x4  }
0x60: {  	v6 =	vld.idx.msk [tilespmem:v5+s17+$0x0], $0xffff  }
0x61: {  	v7 =	vor.u32 $0x80, v5;
	_ =	sdelay $0x1  }
0x62: {  	s31 =	sand.u32 $0x70, s26;
	s1 =	sand.u32 $0xFC00, s26  }
0x63: {  	s0 =	sor.u32 s31, s1  }
0x64: {  	[tilespmem:s0+$0xB400] =	vst v6  }
0x65: {  	v6 =	vld.idx.msk [tilespmem:v7+s17+$0x0], $0xffff  }
0x66: {  	v7 =	vor.u32 $0x100, v5;
	_ =	sdelay $0x3  }
0x67: {  	[tilespmem:s0+$0xB480] =	vst v6  }
0x68: {  	v6 =	vld.idx.msk [tilespmem:v7+s17+$0x0], $0xffff  }
0x69: {  	v7 =	vor.u32 $0x180, v5;
	_ =	sdelay $0x3  }
0x6a: {  	[tilespmem:s0+$0xB500] =	vst v6  }
0x6b: {  	v6 =	vld.idx.msk [tilespmem:v7+s17+$0x0], $0xffff  }
0x6c: {  	v7 =	vor.u32 $0x200, v5;
	_ =	sdelay $0x3  }
0x6d: {  	[tilespmem:s0+$0xB580] =	vst v6  }
0x6e: {  	v6 =	vld.idx.msk [tilespmem:v7+s17+$0x0], $0xffff  }
0x6f: {  	v5 =	vor.u32 $0x280, v5;
	_ =	sdelay $0x3  }
0x70: {  	[tilespmem:s0+$0xB600] =	vst v6  }
0x71: {  	s28 =	simm.s32 $0x10;
	s29 =	simm.s32 $0x0;
	v5 =	vld.idx.msk [tilespmem:v5+s17+$0x0], $0xffff  }
.LBB2_15:
0x72: {  	_ =	sdelay $0x3  }
0x73: {  	p0 =	sne.s32 s28, $0x13F0;
	s26 =	sadd.s32 $0x80, s26;
	s29 =	sadd.s32 $0x10, s29;
	[tilespmem:s0+$0xB680] =	vst v5  }
0x74: {  	s0 =	smov.u32 s28;
	s28 =	sadd.s32 $0x10, s28;
	v5 =	vld [tilespmem:s29+$0x0];
	_ =	sdelay $0x4  }
0x75: {  	v6 =	vshll.u32 v5, $0x3  }
0x76: {  	v5 =	vand.u32 $0x7F, v5;
	v6 =	vand.u32 $0xFFFFFC00, v6  }
0x77: {  	v5 =	vor.u32 v5, v6;
	_ =	sdelay $0x4  }
0x78: {  	v6 =	vld.idx.msk [tilespmem:v5+s17+$0x0], $0xffff;
	_ =	sdelay $0x1  }
0x79: {  	v7 =	vor.u32 $0x80, v5;
	_ =	sdelay $0x1  }
0x7a: {  	s1 =	sand.u32 $0xFC00, s26;
	s0 =	sand.u32 $0x70, s0  }
0x7b: {  	s0 =	sor.u32 s0, s1  }
0x7c: {  	[tilespmem:s0+$0xB400] =	vst v6  }
0x7d: {  	v6 =	vld.idx.msk [tilespmem:v7+s17+$0x0], $0xffff;
	_ =	sdelay $0x1  }
0x7e: {  	v7 =	vor.u32 $0x100, v5;
	_ =	sdelay $0x3  }
0x7f: {  	[tilespmem:s0+$0xB480] =	vst v6  }
0x80: {  	v6 =	vld.idx.msk [tilespmem:v7+s17+$0x0], $0xffff;
	_ =	sdelay $0x1  }
0x81: {  	v7 =	vor.u32 $0x180, v5;
	_ =	sdelay $0x3  }
0x82: {  	[tilespmem:s0+$0xB500] =	vst v6  }
0x83: {  	v6 =	vld.idx.msk [tilespmem:v7+s17+$0x0], $0xffff;
	_ =	sdelay $0x1  }
0x84: {  	v7 =	vor.u32 $0x200, v5;
	_ =	sdelay $0x3  }
0x85: {  	[tilespmem:s0+$0xB580] =	vst v6  }
0x86: {  	v6 =	vld.idx.msk [tilespmem:v7+s17+$0x0], $0xffff;
	_ =	sdelay $0x1  }
0x87: {  	v5 =	vor.u32 $0x280, v5  }
.Ltmp9:
0x88: {  	(pc) =	sbr.rel @p0 .LBB2_15-.Ltmp9, $3  }
0x89: {  	_ =	sdelay $0x1  }
0x8a: {  	[tilespmem:s0+$0xB600] =	vst v6  }
0x8b: {  	v5 =	vld.idx.msk [tilespmem:v5+s17+$0x0], $0xffff  }
0x8c: {  	_ =	sdelay $0x2  }
0x8d: {  	s1 =	simm.s32 $0x1400  }
0x8e: {  	s2 =	sadd.s32 $0x0, s12;
	s26 =	simm.s32 $0x1800;
	[tilespmem:s0+$0xB680] =	vst v5;
	s0 =	simm.s32 $0x80  }
.LBB2_17:
0x8f: {  	[tilespmem:s1], [sflag:$0x1] =	stream.linear.gather [hbm4b:s2+s3], $0x80, $0x38;
	[tilespmem:$0x17700] =	vst v63  }
0x90: {  	s2 =	smov.u32 s0;
	s1 =	smov.u32 s26;
	p0 =	sne.s32 s0, $0x1380  }
.Ltmp10:
0x91: {  	s0 =	sadd.s32 $0x80, s0;
	(pc) =	sbr.rel @p0 .LBB2_17-.Ltmp10, $2  }
0x92: {  	_ =	sdelay $0x2  }
0x93: {  	s26 =	sadd.s32 $0x400, s26;
	s2 =	sadd.s32 s2, s12  }
0x94: {  	[tilespmem:s1], [sflag:$0x1] =	stream.linear.gather [hbm4b:s2+s3], $0x80, $0x38;
	[tilespmem:$0x17700] =	vst v63  }
0x95: {  	_ =	swait.ge [sflag:s16], $0x1400  }
0x96: {  	s0 =	simm.s32 $0x1480;
	s1 =	simm.s32 $0x80;
	[sflag:s16] =	ssyncset.done $0x0  }
0x97: {  	s2 =	sadd.s32 $0x0, s13;
	s26 =	simm.s32 $0x1880;
	[sflag:s16] =	ssyncadd.s32 $0xFFFFEC00  }
.LBB2_19:
0x98: {  	[tilespmem:s0], [sflag:$0x1] =	stream.linear.gather [hbm4b:s2+s3], $0x80, $0x38;
	[tilespmem:$0x17700] =	vst v63  }
0x99: {  	s2 =	smov.u32 s1;
	s0 =	smov.u32 s26;
	p0 =	sne.s32 s1, $0x1380  }
.Ltmp11:
0x9a: {  	s1 =	sadd.s32 $0x80, s1;
	(pc) =	sbr.rel @p0 .LBB2_19-.Ltmp11, $2  }
0x9b: {  	_ =	sdelay $0x2  }
0x9c: {  	s26 =	sadd.s32 $0x400, s26;
	s2 =	sadd.s32 s2, s13  }
0x9d: {  	[tilespmem:s0], [sflag:$0x1] =	stream.linear.gather [hbm4b:s2+s3], $0x80, $0x38;
	[tilespmem:$0x17700] =	vst v63  }
0x9e: {  	_ =	swait.ge [sflag:s16], $0x1400  }
0x9f: {  	s0 =	simm.s32 $0x1500;
	s1 =	simm.s32 $0x80;
	[sflag:s16] =	ssyncset.done $0x0  }
0xa0: {  	s2 =	sadd.s32 $0x0, s14;
	s26 =	simm.s32 $0x1900;
	[sflag:s16] =	ssyncadd.s32 $0xFFFFEC00  }
.LBB2_21:
0xa1: {  	[tilespmem:s0], [sflag:$0x1] =	stream.linear.gather [hbm4b:s2+s3], $0x80, $0x38;
	[tilespmem:$0x17700] =	vst v63  }
0xa2: {  	s2 =	smov.u32 s1;
	s0 =	smov.u32 s26;
	p0 =	sne.s32 s1, $0x1380  }
.Ltmp12:
0xa3: {  	s1 =	sadd.s32 $0x80, s1;
	(pc) =	sbr.rel @p0 .LBB2_21-.Ltmp12, $2  }
0xa4: {  	_ =	sdelay $0x2  }
0xa5: {  	s26 =	sadd.s32 $0x400, s26;
	s2 =	sadd.s32 s2, s14  }
0xa6: {  	[tilespmem:s0], [sflag:$0x1] =	stream.linear.gather [hbm4b:s2+s3], $0x80, $0x38;
	[tilespmem:$0x17700] =	vst v63  }
0xa7: {  	_ =	swait.ge [sflag:s16], $0x1400  }
0xa8: {  	s0 =	simm.s32 $0x1580;
	s1 =	simm.s32 $0x80;
	[sflag:s16] =	ssyncset.done $0x0  }
0xa9: {  	s2 =	sadd.s32 $0x0, s15;
	s26 =	simm.s32 $0x1980;
	[sflag:s16] =	ssyncadd.s32 $0xFFFFEC00  }
.LBB2_23:
0xaa: {  	[tilespmem:s0], [sflag:$0x1] =	stream.linear.gather [hbm4b:s2+s3], $0x80, $0x38;
	[tilespmem:$0x17700] =	vst v63  }
0xab: {  	s2 =	smov.u32 s1;
	s0 =	smov.u32 s26;
	p0 =	sne.s32 s1, $0x1380  }
.Ltmp13:
0xac: {  	s1 =	sadd.s32 $0x80, s1;
	(pc) =	sbr.rel @p0 .LBB2_23-.Ltmp13, $2  }
0xad: {  	_ =	sdelay $0x2  }
0xae: {  	s26 =	sadd.s32 $0x400, s26;
	s2 =	sadd.s32 s2, s15  }
0xaf: {  	[tilespmem:s0], [sflag:$0x1] =	stream.linear.gather [hbm4b:s2+s3], $0x80, $0x38;
	[tilespmem:$0x17700] =	vst v63  }
0xb0: {  	_ =	swait.ge [sflag:s16], $0x1400  }
0xb1: {  	[sflag:s16] =	ssyncset.done $0x0  }
0xb2: {  	s1 =	simm.s32 $0x40;
	s0 =	simm.s32 $0x0;
	[sflag:s16] =	ssyncadd.s32 $0xFFFFEC00  }
.LBB2_25:
0xb3: {  	p0 =	sne.s32 s1, $0x1400;
	[tilespmem:s0+$0x16A00] =	vst v0;
	s2 =	smov.u32 s1;
	s1 =	sadd.s32 $0x40, s1  }
.Ltmp14:
0xb4: {  	[tilespmem:s0+$0x16480] =	vst v0;
	(pc) =	sbr.rel @p0 .LBB2_25-.Ltmp14, $4  }
0xb5: {  	[tilespmem:s0+$0x15F00] =	vst v0  }
0xb6: {  	[tilespmem:s0+$0x15400] =	vst v0  }
0xb7: {  	[tilespmem:s0+$0x15980] =	vst v0  }
0xb8: {  	s0 =	sshra.s32 s2, $0x2  }
0xb9: {  	[tilespmem:s0+$0x16A00] =	vst v0  }
0xba: {  	[tilespmem:s0+$0x16480] =	vst v0  }
0xbb: {  	[tilespmem:s0+$0x15F00] =	vst v0  }
0xbc: {  	[tilespmem:s0+$0x15400] =	vst v0  }
0xbd: {  	[tilespmem:s0+$0x15980] =	vst v0;
	s0 =	simm.s32 $0x40;
	s1 =	simm.s32 $0x0  }
.LBB2_27:
0xbe: {  	p0 =	sne.s32 s0, $0x1480;
	[tilespmem:s1+$0x16F80] =	vst v1;
	s1 =	smov.u32 s0;
	s0 =	sadd.s32 $0x40, s0  }
.Ltmp15:
0xbf: {  	(pc) =	sbr.rel @p0 .LBB2_27-.Ltmp15, $2  }
0xc0: {  	_ =	sdelay $0x2  }
0xc1: {  	s1 =	sshra.s32 s1, $0x2  }
0xc2: {  	[tilespmem:s1+$0x16F80] =	vst v1  }
0xc3: {  	[tilespmem:$0x17500] =	vst v0  }
0xc4: {  	[tilespmem:$0x17510] =	vst v0  }
0xc5: {  	[tilespmem:$0x17520] =	vst v0  }
0xc6: {  	[tilespmem:$0x17530] =	vst v0  }
0xc7: {  	[tilespmem:$0x17540] =	vst v0  }
0xc8: {  	[tilespmem:$0x17550] =	vst v0  }
0xc9: {  	[tilespmem:$0x17560] =	vst v0  }
0xca: {  	[tilespmem:$0x17570] =	vst v0  }
0xcb: {  	[tilespmem:$0x17580] =	vst v0  }
0xcc: {  	[tilespmem:$0x17590] =	vst v0  }
0xcd: {  	[tilespmem:$0x175A0] =	vst v0  }
0xce: {  	[tilespmem:$0x175B0] =	vst v0  }
0xcf: {  	[tilespmem:$0x175C0] =	vst v0  }
0xd0: {  	[tilespmem:$0x175D0] =	vst v0  }
0xd1: {  	[tilespmem:$0x175E0] =	vst v0  }
0xd2: {  	[tilespmem:$0x175F0] =	vst v0  }
0xd3: {  	[tilespmem:$0x17600] =	vst v0  }
0xd4: {  	[tilespmem:$0x17610] =	vst v0  }
0xd5: {  	[tilespmem:$0x17620] =	vst v0  }
0xd6: {  	[tilespmem:$0x17630] =	vst v0  }
0xd7: {  	[tilespmem:$0x17640] =	vst v0  }
0xd8: {  	[tilespmem:$0x17650] =	vst v0  }
0xd9: {  	[tilespmem:$0x17660] =	vst v0  }
0xda: {  	[tilespmem:$0x17670] =	vst v0  }
0xdb: {  	[tilespmem:$0x17680] =	vst v0  }
0xdc: {  	[tilespmem:$0x17690] =	vst v0  }
0xdd: {  	[tilespmem:$0x176A0] =	vst v0  }
.Ltmp16:
0xde: {  	[tilespmem:$0x176B0] =	vst v0;
	(pc) =	sbr.rel .LBB2_29-.Ltmp16, $4  }
0xdf: {  	[tilespmem:$0x176C0] =	vst v0  }
0xe0: {  	[tilespmem:$0x176D0] =	vst v0  }
0xe1: {  	[tilespmem:$0x176E0] =	vst v0  }
0xe2: {  	s26 =	simm.s32 $0x0;
	[tilespmem:$0x176F0] =	vst v0  }
.LBB2_33:
0xe3: {  	s26 =	sadd.s32 $0x1, s26  }
0xe4: {  	p0 =	sne.s32 s26, $0x140  }
.Ltmp17:
0xe5: {  	_ = 	snop;
	(pc) =	sbr.rel @!p0 .LBB2_34-.Ltmp17, $1  }
0xe6: {  	_ =	sdelay $0x3  }
.LBB2_29:
0xe7: {  	v5 =	vld [tilespmem:$0x174A0];
	_ =	sdelay $0x4  }
0xe8: {  	(v2sf) =	vpush v5, $0x0;
	_ =	sdelay $0xe  }
0xe9: {  	s0 =	spop (v2sf)  }
0xea: {  	p0 =	sne.s32 s0, $0x0  }
.Ltmp18:
0xeb: {  	_ = 	snop;
	(pc) =	sbr.rel @p0 .LBB2_33-.Ltmp18, $1  }
0xec: {  	_ =	sdelay $0x3  }
0xed: {  	s30 =	sshll.u32 s26, $0x4;
	s0 =	sshll.u32 s26, $0x7  }
0xee: {  	s1 =	sand.u32 $0x70, s30;
	s0 =	sand.u32 $0xFC00, s0  }
0xef: {  	s0 =	sor.u32 s1, s0  }
0xf0: {  	v5 =	vld [tilespmem:s0+$0xB680];
	_ =	sdelay $0x2  }
0xf1: {  	s28 =	simm.s32 $0x0  }
0xf2: {  	v12 =	vmov s28  }
0xf3: {  	v6 =	vperm.xlane v5, v12;
	_ =	sdelay $0x1  }
0xf4: {  	(v2sf) =	vpush v6, $0x0;
	_ =	sdelay $0x4  }
0xf5: {  	v6 =	vld [tilespmem:s0+$0xB400]  }
0xf6: {  	v7 =	vld [tilespmem:s0+$0xB580]  }
0xf7: {  	v8 =	vld [tilespmem:s0+$0xB500]  }
0xf8: {  	v9 =	vld [tilespmem:s0+$0xB600]  }
0xf9: {  	v10 =	vld [tilespmem:s0+$0xB480]  }
0xfa: {  	v11 =	vperm.xlane v6, v12  }
0xfb: {  	v13 =	vperm.xlane v7, v12  }
0xfc: {  	v14 =	vperm.xlane v8, v12;
	(v2sf) =	vpush v11, $0x0  }
0xfd: {  	v15 =	vperm.xlane v9, v12;
	(v2sf) =	vpush v13, $0x0  }
0xfe: {  	v16 =	vperm.xlane v10, v12;
	(v2sf) =	vpush v14, $0x0  }
0xff: {  	(v2sf) =	vpush v15, $0x0;
	s2 =	spop (v2sf)  }
0x100: {  	(v2sf) =	vpush v16, $0x0;
	s29 =	scvt.f32.s32 s2;
	_ =	sdelay $0x1  }
0x101: {  	s0 =	sshll.u32 s29, $0x4  }
0x102: {  	v17 =	vor.u32 s0, v2;
	_ =	sdelay $0x4  }
0x103: {  	v18 =	vld.idx.msk [tilespmem:v17+s22+$0x0], $0xffff  }
0x104: {  	v19 =	vld.idx.msk [tilespmem:v17+s21+$0x0], $0xffff  }
0x105: {  	v20 =	vld.idx.msk [tilespmem:v17+s19+$0x0], $0xffff  }
0x106: {  	s4 =	spop (v2sf);
	v21 =	vld.idx.msk [tilespmem:v17+s20+$0x0], $0xffff  }
0x107: {  	s1 =	spop (v2sf)  }
0x108: {  	v22 =	vbroadcast v11, $0x0;
	v13 =	vbroadcast v13, $0x0;
	s2 =	spop (v2sf)  }
0x109: {  	v14 =	vbroadcast v14, $0x0;
	v16 =	vbroadcast v16, $0x0;
	s31 =	spop (v2sf)  }
0x10a: {  	v11 =	vld.idx.msk [tilespmem:v17+s23+$0x0], $0xffff;
	s0 =	ssub.f32 s2, s4;
	s4 =	spop (v2sf);
	v20 =	vmax.f32 v20, v22  }
0x10b: {  	s1 =	ssub.f32 s1, s4;
	v19 =	vmin.f32 v19, v14;
	v18 =	vmin.f32 v18, v13;
	v21 =	vmax.f32 v21, v16  }
0x10c: {  	v19 =	vsub.f32 v19, v20;
	v18 =	vsub.f32 v18, v21  }
0x10d: {  	s0 =	smul.f32 s1, s0  }
0x10e: {  	v19 =	vmax.f32 v19, $0.0e+00;
	v18 =	vmax.f32 v18, $0.0e+00  }
0x10f: {  	v11 =	vadd.f32 s0, v11;
	v18 =	vmul.f32 v18, v19;
	_ =	sdelay $0x1  }
0x110: {  	v11 =	vsub.f32 v11, v18;
	_ =	sdelay $0x1  }
0x111: {  	v11 =	vmax.f32 v11, $9.999999710e-10  }
0x112: {  	(erf) = vrcp.f32 v11;
	_ =	sdelay $0x4  }
0x113: {  	v11 =	vld.idx.msk [tilespmem:v17+s18+$0x0], $0xffff  }
0x114: {  	v19 =	vld [tilespmem:$0x17490];
	_ =	sdelay $0x2  }
0x115: {  	v20 =	vpop (erf)  }
0x116: {  	v21 =	vbroadcast v11, $0x0;
	v18 =	vmul.f32 v20, v18  }
0x117: {  	(v2sf) =	vpush v19, $0x0  }
0x118: {  	(v2sf) =	vpush v11, $0x0;
	vm5 =	vgt.s32 v21, v2;
	vm6 =	vgt.f32 v18, $5.000000000e-01  }
0x119: {  	vm5 =	vmand vm5, vm6  }
0x11a: {  	v11 =	vmpcnt.ones.xlane vm5;
	_ =	sdelay $0x1  }
0x11b: {  	(v2sf) =	vpush v11, $0x0;
	_ =	sdelay $0x9  }
0x11c: {  	s1 =	spop (v2sf)  }
0x11d: {  	p1 =	seq.s32 s29, $0x0;
	p0 =	slt.s32 s1, $0xF;
	s2 =	spop (v2sf)  }
0x11e: {  	p0 =	por p1, p0;
	p2 =	slt.s32 s2, $0xF  }
0x11f: {  	p0 =	por !p2, !p0  }
0x120: {  	p5 =	por $0x1, $0x1;
	p0 =	por !p0, !p0  }
0x121: {  	p0 =	por !p5, !p0;
	s4 =	spop (v2sf)  }
0x122: {  	p3 =	por !p0, !p0;
	p6 =	slt.s32 s4, $0x1;
	s4 =	simm.s32 $0x1  }
0x123: {  	v11 =	vld [tilespmem:s30+$0x0];
	p0 =	sge.f32 s31, $2.000000030e-01;
	p2 =	por !p3, !p6;
	v20 =	vmov s4  }
0x124: {  	p2 =	por !p2, !p2;
	v18 =	vperm.xlane v5, v20  }
0x125: {  	p2 =	por !p0, !p2  }
0x126: {  	vm5 =	vmmov vm0;
	p2 =	por !p2, !p2;
	(v2sf) =	vpush v18, $0x0  }
0x127: {  	vm6 =	veq.s32 v21, v2;
	vm5 =	vmneg @p2 vm5  }
0x128: {  	v12 =	vperm.xlane v11, v12;
	vm6 =	vmand vm6, vm5;
	_ =	sdelay $0x1  }
0x129: {  	v12 =	vbroadcast v12, $0x0;
	_ =	sdelay $0x1  }
0x12a: {  	v22 =	vadd.f32 $0.0e+00, v22;
	v16 =	vadd.f32 $0.0e+00, v16;
	v18 =	vshll.u32 v12, $0x3  }
0x12b: {  	v12 =	vand.u32 $0x7F, v12;
	v18 =	vand.u32 $0xFFFFFC00, v18;
	vm7 =	vmand vm5, vm1  }
0x12c: {  	v14 =	vadd.f32 $0.0e+00, v14;
	v12 =	vor.u32 v18, v12;
	[tilespmem:v17+s19+$0x0] =	vst.idx.msk vm6, v22  }
0x12d: {  	v13 =	vadd.f32 $0.0e+00, v13;
	v18 =	vmov s0;
	v12 =	vor.u32 v3, v12;
	[tilespmem:v17+s20+$0x0] =	vst.idx.msk vm6, v16  }
0x12e: {  	v16 =	vadd.f32 $0.0e+00, v18;
	[tilespmem:v17+s21+$0x0] =	vst.idx.msk vm6, v14  }
0x12f: {  	[tilespmem:v17+s22+$0x0] =	vst.idx.msk vm6, v13  }
0x130: {  	v18 =	vadd.s32 $0x1, v21;
	[tilespmem:v17+s23+$0x0] =	vst.idx.msk vm6, v16  }
0x131: {  	s0 =	sadd.s32 $0xF, s1;
	[tilespmem:v17+s18+$0x0] =	vst.idx.msk vm7, v18  }
0x132: {  	p2 =	sne.s32 s29, $0x0;
	s0 =	smov.u32 @p1 s2;
	vm6 =	vmmov vm0;
	v12 =	vld.idx.msk [tilespmem:v12+s17+$0x0], $0xffff  }
0x133: {  	v15 =	vbroadcast v15, $0x0;
	s0 =	sshll.u32 s0, $0x4;
	v14 =	vperm.xlane v6, v20;
	vm6 =	vmneg @p2 vm6;
	s1 =	spop (v2sf)  }
0x134: {  	v13 =	vperm.xlane v7, v20;
	v17 =	vor.u32 s0, v2;
	vm6 =	vmand vm6, vm7;
	s31 =	scvt.f32.s32 s1  }
0x135: {  	v15 =	vnsel vm2, $0x0, v15;
	(v2sf) =	vpush v14, $0x0  }
0x136: {  	v22 =	vperm.xlane v9, v20;
	v16 =	vperm.xlane v8, v20;
	(v2sf) =	vpush v13, $0x0;
	s0 =	sshll.u32 s31, $0x4  }
0x137: {  	v18 =	vadd.s32 $0x1, v19;
	v15 =	vsel vm3, v12, v15;
	v12 =	vor.u32 s0, v2  }
0x138: {  	v21 =	vperm.xlane v10, v20;
	(v2sf) =	vpush v16, $0x0;
	v18 =	vbroadcast v18, $0x0  }
0x139: {  	(v2sf) =	vpush v22, $0x0;
	[tilespmem:v17+s24+$0x0] =	vst.idx.msk vm5, v15  }
0x13a: {  	(v2sf) =	vpush v21, $0x0;
	[tilespmem:v4+s18+$0x0] =	vst.idx.msk vm6, v18  }
0x13b: {  	v15 =	vld [tilespmem:$0x16F80]  }
0x13c: {  	v19 =	vld.idx.msk [tilespmem:v12+s22+$0x0], $0xffff  }
0x13d: {  	v23 =	vld.idx.msk [tilespmem:v12+s21+$0x0], $0xffff  }
0x13e: {  	v25 =	vld.idx.msk [tilespmem:v12+s20+$0x0], $0xffff;
	_ =	sdelay $0x1  }
0x13f: {  	v16 =	vbroadcast v16, $0x0  }
0x140: {  	v18 =	vbroadcast v21, $0x0;
	(v2sf) =	vpush v15, $0x0;
	v15 =	vbroadcast v13, $0x0;
	_ =	sdelay $0x1  }
0x141: {  	v21 =	vmin.f32 v23, v16;
	v19 =	vmin.f32 v19, v15;
	v23 =	vmax.f32 v25, v18  }
0x142: {  	v19 =	vsub.f32 v19, v23;
	v23 =	vld [tilespmem:$0x17490]  }
0x143: {  	s2 =	spop (v2sf)  }
0x144: {  	s1 =	spop (v2sf)  }
0x145: {  	s4 =	spop (v2sf)  }
0x146: {  	s30 =	spop (v2sf)  }
0x147: {  	v24 =	vld.idx.msk [tilespmem:v12+s19+$0x0], $0xffff;
	s0 =	ssub.f32 s4, s2;
	s4 =	spop (v2sf);
	(v2sf) =	vpush v23, $0x0  }
0x148: {  	_ =	sdelay $0x1  }
0x149: {  	v17 =	vbroadcast v14, $0x0  }
0x14a: {  	v13 =	vld.idx.msk [tilespmem:v12+s23+$0x0], $0xffff  }
0x14b: {  	v14 =	vmax.f32 v24, v17;
	s1 =	ssub.f32 s1, s4  }
0x14c: {  	v14 =	vsub.f32 v21, v14  }
0x14d: {  	v20 =	vperm.xlane v11, v20;
	s0 =	smul.f32 s1, s0  }
0x14e: {  	v14 =	vmax.f32 v14, $0.0e+00;
	v19 =	vmax.f32 v19, $0.0e+00  }
0x14f: {  	v20 =	vbroadcast v20, $0x0;
	v21 =	vmul.f32 v19, v14;
	v13 =	vadd.f32 s0, v13;
	_ =	sdelay $0x1  }
0x150: {  	v14 =	vshll.u32 v20, $0x3;
	v19 =	vsub.f32 v13, v21  }
0x151: {  	v20 =	vand.u32 $0x7F, v20;
	v14 =	vand.u32 $0xFFFFFC00, v14  }
0x152: {  	v14 =	vor.u32 v14, v20;
	v20 =	vmax.f32 v19, $9.999999710e-10  }
0x153: {  	s29 =	simm.s32 $0x2;
	p1 =	sne.s32 s31, $0x0;
	v13 =	vbroadcast v22, $0x0;
	v19 =	vmov s0;
	(erf) = vrcp.f32 v20;
	s1 =	spop (v2sf)  }
.LBB2_31:
0x154: {  	p3 =	slt.s32 s1, $0xF;
	s1 =	spop (v2sf);
	s0 =	smov.u32 s29  }
0x155: {  	s2 =	sadd.s32 $0x1, s29;
	p4 =	slt.s32 s1, $0xF;
	s1 =	smov.u32 s28  }
0x156: {  	p2 =	sne.s32 s29, $0xF;
	v22 =	vld [tilespmem:$0x17490];
	s1 =	simm.s32 @!p4 $0x1  }
0x157: {  	v23 =	vld.idx.msk [tilespmem:v12+s18+$0x0], $0xffff;
	s1 =	smov.u32 @p3 s28  }
0x158: {  	s28 =	smov.u32 s1  }
0x159: {  	s28 =	simm.s32 @!p0 $0x1  }
0x15a: {  	p0 =	seq.s32 s28, $0x0  }
0x15b: {  	v20 =	vadd.s32 $0x1, v22  }
0x15c: {  	(v2sf) =	vpush v22, $0x0  }
0x15d: {  	v22 =	vbroadcast v23, $0x0;
	(v2sf) =	vpush v23, $0x0;
	v23 =	vpop (erf)  }
0x15e: {  	v21 =	vmul.f32 v23, v21  }
0x15f: {  	vm5 =	vgt.s32 v22, v2  }
0x160: {  	vm6 =	vgt.f32 v21, $5.000000000e-01  }
0x161: {  	vm5 =	vmand vm5, vm6  }
0x162: {  	v21 =	vmpcnt.ones.xlane vm5;
	_ =	sdelay $0x1  }
0x163: {  	(v2sf) =	vpush v21, $0x0;
	_ =	sdelay $0x6  }
0x164: {  	p3 =	seq.s32 s31, $0x0;
	s1 =	spop (v2sf)  }
0x165: {  	p4 =	slt.s32 s1, $0xF;
	s1 =	sadd.s32 $0xF, s1;
	s4 =	spop (v2sf)  }
0x166: {  	p5 =	slt.s32 s4, $0xF;
	p4 =	por p3, p4;
	s1 =	smov.u32 @p3 s4  }
0x167: {  	p3 =	por !p5, !p4;
	s31 =	sshll.u32 s1, $0x4  }
0x168: {  	p3 =	por !p3, !p3  }
0x169: {  	p0 =	por !p0, !p3;
	_ =	sdelay $0x2  }
0x16a: {  	p3 =	por !p0, !p0;
	s1 =	spop (v2sf)  }
0x16b: {  	p4 =	slt.s32 s1, $0x1  }
0x16c: {  	p0 =	sge.f32 s30, $2.000000030e-01;
	p3 =	por !p3, !p4  }
0x16d: {  	v21 =	vmov s0;
	p3 =	por !p3, !p3  }
0x16e: {  	vm6 =	veq.s32 v22, v2;
	v23 =	vperm.xlane v5, v21;
	v24 =	vperm.xlane v6, v21;
	p3 =	por !p0, !p3  }
0x16f: {  	vm5 =	vmmov vm0;
	v25 =	vperm.xlane v10, v21;
	v26 =	vperm.xlane v8, v21;
	p3 =	por !p3, !p3  }
0x170: {  	v27 =	vperm.xlane v7, v21;
	(v2sf) =	vpush v23, $0x0;
	vm5 =	vmneg @p3 vm5  }
0x171: {  	v23 =	vperm.xlane v9, v21;
	(v2sf) =	vpush v24, $0x0;
	vm6 =	vmand vm6, vm5  }
0x172: {  	v21 =	vperm.xlane v11, v21;
	(v2sf) =	vpush v27, $0x0  }
0x173: {  	v28 =	vbroadcast v23, $0x0;
	(v2sf) =	vpush v26, $0x0  }
0x174: {  	v17 =	vadd.f32 $0.0e+00, v17;
	v21 =	vbroadcast v21, $0x0;
	(v2sf) =	vpush v23, $0x0  }
0x175: {  	v18 =	vadd.f32 $0.0e+00, v18;
	vm7 =	vmand vm5, vm1  }
0x176: {  	v16 =	vadd.f32 $0.0e+00, v16;
	v29 =	vor.u32 v3, v14;
	v23 =	vshll.u32 v21, $0x3  }
0x177: {  	v15 =	vadd.f32 $0.0e+00, v15;
	v14 =	vand.u32 $0x7F, v21;
	v21 =	vand.u32 $0xFFFFFC00, v23;
	[tilespmem:v12+s19+$0x0] =	vst.idx.msk vm6, v17  }
0x178: {  	v14 =	vor.u32 v21, v14;
	v17 =	vadd.f32 $0.0e+00, v19;
	[tilespmem:v12+s20+$0x0] =	vst.idx.msk vm6, v18  }
0x179: {  	[tilespmem:v12+s21+$0x0] =	vst.idx.msk vm6, v16  }
0x17a: {  	[tilespmem:v12+s22+$0x0] =	vst.idx.msk vm6, v15;
	v15 =	vadd.s32 $0x1, v22  }
0x17b: {  	[tilespmem:v12+s23+$0x0] =	vst.idx.msk vm6, v17  }
0x17c: {  	vm6 =	vmmov vm0;
	[tilespmem:v12+s18+$0x0] =	vst.idx.msk vm7, v15  }
0x17d: {  	vm6 =	vmneg @p1 vm6;
	v15 =	vld.idx.msk [tilespmem:v29+s17+$0x0], $0xffff  }
0x17e: {  	v16 =	vor.u32 s31, v2;
	vm6 =	vmand vm6, vm7  }
0x17f: {  	s0 =	spop (v2sf)  }
0x180: {  	s31 =	scvt.f32.s32 s0;
	s0 =	spop (v2sf);
	(v2sf) =	vpush v25, $0x0  }
0x181: {  	v17 =	vnsel vm2, $0x0, v13;
	v13 =	vmov v28;
	s1 =	spop (v2sf)  }
0x182: {  	v18 =	vbroadcast v20, $0x0;
	s4 =	sshll.u32 s31, $0x4;
	p1 =	sne.s32 s31, $0x0;
	s29 =	spop (v2sf)  }
0x183: {  	v15 =	vsel vm3, v15, v17;
	v12 =	vor.u32 s4, v2;
	s0 =	ssub.f32 s29, s0;
	s30 =	spop (v2sf)  }
0x184: {  	[tilespmem:v16+s24+$0x0] =	vst.idx.msk vm5, v15  }
0x185: {  	[tilespmem:v4+s18+$0x0] =	vst.idx.msk vm6, v18  }
0x186: {  	v15 =	vld [tilespmem:$0x16F80]  }
0x187: {  	v16 =	vld [tilespmem:$0x17490]  }
0x188: {  	v19 =	vld.idx.msk [tilespmem:v12+s22+$0x0], $0xffff  }
0x189: {  	v20 =	vld.idx.msk [tilespmem:v12+s21+$0x0], $0xffff  }
0x18a: {  	v21 =	vld.idx.msk [tilespmem:v12+s19+$0x0], $0xffff  }
0x18b: {  	v22 =	vld.idx.msk [tilespmem:v12+s20+$0x0], $0xffff;
	(v2sf) =	vpush v15, $0x0  }
0x18c: {  	(v2sf) =	vpush v16, $0x0  }
0x18d: {  	v17 =	vbroadcast v24, $0x0;
	v16 =	vbroadcast v26, $0x0  }
0x18e: {  	v18 =	vbroadcast v25, $0x0;
	v15 =	vbroadcast v27, $0x0;
	v23 =	vld.idx.msk [tilespmem:v12+s23+$0x0], $0xffff  }
0x18f: {  	s4 =	spop (v2sf)  }
0x190: {  	v19 =	vmin.f32 v19, v15;
	v20 =	vmin.f32 v20, v16;
	v21 =	vmax.f32 v21, v17;
	s1 =	ssub.f32 s1, s4  }
0x191: {  	v22 =	vmax.f32 v22, v18;
	v20 =	vsub.f32 v20, v21  }
0x192: {  	v19 =	vsub.f32 v19, v22;
	s0 =	smul.f32 s1, s0  }
0x193: {  	v20 =	vmax.f32 v20, $0.0e+00  }
0x194: {  	v21 =	vmax.f32 v19, $0.0e+00;
	v19 =	vmov s0;
	v22 =	vadd.f32 s0, v23  }
0x195: {  	v21 =	vmul.f32 v21, v20  }
.Ltmp19:
0x196: {  	(pc) =	sbr.rel @p2 .LBB2_31-.Ltmp19, $3  }
0x197: {  	v20 =	vsub.f32 v22, v21;
	_ =	sdelay $0x1  }
0x198: {  	v20 =	vmax.f32 v20, $9.999999710e-10  }
0x199: {  	s29 =	smov.u32 s2;
	(erf) = vrcp.f32 v20;
	s1 =	spop (v2sf)  }
0x19a: {  	_ =	sdelay $0x3  }
0x19b: {  	v5 =	vld.idx.msk [tilespmem:v12+s18+$0x0], $0xffff  }
0x19c: {  	v6 =	vld [tilespmem:$0x17490];
	_ =	sdelay $0x2  }
0x19d: {  	v7 =	vpop (erf)  }
0x19e: {  	v8 =	vbroadcast v5, $0x0;
	v7 =	vmul.f32 v7, v21  }
0x19f: {  	(v2sf) =	vpush v6, $0x0  }
0x1a0: {  	(v2sf) =	vpush v5, $0x0;
	vm5 =	vgt.s32 v8, v2;
	vm6 =	vgt.f32 v7, $5.000000000e-01  }
0x1a1: {  	vm5 =	vmand vm5, vm6  }
0x1a2: {  	v5 =	vmpcnt.ones.xlane vm5;
	_ =	sdelay $0x1  }
0x1a3: {  	(v2sf) =	vpush v5, $0x0;
	_ =	sdelay $0x7  }
0x1a4: {  	s0 =	spop (v2sf)  }
0x1a5: {  	p2 =	slt.s32 s0, $0xF;
	s0 =	smov.u32 s28  }
0x1a6: {  	p3 =	slt.s32 s1, $0xF;
	s0 =	simm.s32 @!p2 $0x1;
	s29 =	spop (v2sf)  }
0x1a7: {  	p2 =	seq.s32 s31, $0x0;
	p4 =	slt.s32 s29, $0xF;
	s2 =	spop (v2sf)  }
0x1a8: {  	s0 =	smov.u32 @p3 s28;
	p6 =	slt.s32 s2, $0xF;
	p4 =	por p2, p4  }
0x1a9: {  	s0 =	simm.s32 @!p0 $0x1;
	p3 =	por !p6, !p4  }
0x1aa: {  	p4 =	seq.s32 s0, $0x0;
	p0 =	por !p3, !p3  }
0x1ab: {  	p0 =	por !p4, !p0;
	s4 =	spop (v2sf)  }
0x1ac: {  	p6 =	por !p0, !p0;
	p5 =	slt.s32 s4, $0x1  }
0x1ad: {  	p0 =	sge.f32 s30, $2.000000030e-01;
	p3 =	por !p6, !p5  }
0x1ae: {  	p3 =	por !p3, !p3  }
0x1af: {  	p3 =	por !p0, !p3  }
0x1b0: {  	vm5 =	vmmov vm0;
	p3 =	por !p3, !p3  }
0x1b1: {  	vm6 =	veq.s32 v8, v2;
	vm5 =	vmneg @p3 vm5  }
0x1b2: {  	vm6 =	vmand vm6, vm5;
	_ =	sdelay $0x3  }
0x1b3: {  	v5 =	vadd.f32 $0.0e+00, v17  }
0x1b4: {  	v7 =	vadd.f32 $0.0e+00, v18;
	vm7 =	vmand vm5, vm1  }
0x1b5: {  	v9 =	vadd.f32 $0.0e+00, v16;
	[tilespmem:v12+s19+$0x0] =	vst.idx.msk vm6, v5  }
0x1b6: {  	v10 =	vadd.f32 $0.0e+00, v15;
	v5 =	vor.u32 v3, v14;
	[tilespmem:v12+s20+$0x0] =	vst.idx.msk vm6, v7  }
0x1b7: {  	v7 =	vadd.f32 $0.0e+00, v19;
	[tilespmem:v12+s21+$0x0] =	vst.idx.msk vm6, v9  }
0x1b8: {  	[tilespmem:v12+s22+$0x0] =	vst.idx.msk vm6, v10  }
0x1b9: {  	v8 =	vadd.s32 $0x1, v8;
	s1 =	sadd.s32 $0xF, s29;
	[tilespmem:v12+s23+$0x0] =	vst.idx.msk vm6, v7  }
0x1ba: {  	s1 =	smov.u32 @p2 s2;
	vm6 =	vmmov vm0;
	[tilespmem:v12+s18+$0x0] =	vst.idx.msk vm7, v8  }
0x1bb: {  	s1 =	sshll.u32 s1, $0x4;
	vm6 =	vmneg @p1 vm6;
	v5 =	vld.idx.msk [tilespmem:v5+s17+$0x0], $0xffff  }
0x1bc: {  	v7 =	vor.u32 s1, v2;
	vm6 =	vmand vm6, vm7;
	_ =	sdelay $0x2  }
0x1bd: {  	v63 =	vnsel vm2, $0x0, v13;
	v6 =	vadd.s32 $0x1, v6  }
0x1be: {  	v6 =	vbroadcast v6, $0x0;
	v5 =	vsel vm3, v5, v63  }
0x1bf: {  	[tilespmem:v7+s24+$0x0] =	vst.idx.msk vm5, v5  }
0x1c0: {  	[tilespmem:v4+s18+$0x0] =	vst.idx.msk vm6, v6  }
0x1c1: {  	v5 =	vld [tilespmem:$0x16F80]  }
0x1c2: {  	v6 =	vld [tilespmem:$0x17490];
	_ =	sdelay $0x3  }
0x1c3: {  	(v2sf) =	vpush v5, $0x0  }
0x1c4: {  	(v2sf) =	vpush v6, $0x0;
	_ =	sdelay $0xd  }
0x1c5: {  	s30 =	spop (v2sf)  }
0x1c6: {  	s31 =	spop (v2sf)  }
0x1c7: {  	s2 =	smov.u32 s0;
	p1 =	slt.s32 s31, $0xF  }
0x1c8: {  	p2 =	slt.s32 s30, $0xF;
	s2 =	simm.s32 @!p1 $0x1  }
.Ltmp20:
0x1c9: {  	s2 =	smov.u32 @p2 s0;
	(pc) =	sbr.rel .LBB2_33-.Ltmp20, $4  }
0x1ca: {  	s2 =	simm.s32 @!p0 $0x1  }
0x1cb: {  	v5 =	vmov s2  }
0x1cc: {  	v5 =	vnsel vm4, $0x0, v5  }
0x1cd: {  	[tilespmem:$0x174A0] =	vst v5  }
.Lfunc_end2:
_tile_overlayer_lowered:
.L_overlay_start_2:
0x1ce: {  	(tag) =	ssettag $0x2  }
0x1cf: {  	s0 =	rddreg [dreg:$0x0];
	s2 =	stileid.u32  }
0x1d0: {  	s1 =	rddreg [dreg:$0x1];
	p0 =	sne.s32 s2, $0x0  }
0x1d1: {  	s3 =	rddreg [dreg:$0x2];
	[bflag:$0x3] =	sbarrier.arrive $0xFFFF;
	s2 =	simm.s32 @!p0 $0x1C01  }
0x1d2: {  	[timem:s3], [sflag:s2] =	dma.local @!p0 [hbm:s0], s1  }
0x1d3: {  	s0 =	simm.s32 @!p0 $0x1  }
0x1d4: {  	_ =	swait.ge @!p0 [sflag:s0], s1  }
0x1d5: {  	s1 =	ssub.s32 @!p0 $0x0, s1;
	[sflag:s0] =	ssyncset.done @!p0 $0x0  }
0x1d6: {  	[sflag:s0] =	ssyncadd.s32 @!p0 s1  }
0x1d7: {  	[bflag:$0x3] =	sbarrier.arrive $0xFFFF  }
0x1d8: {  	_ =	shalt  }

</sc_bundles>
